<compile_context>
chip_gen: v7x
topology: tpu7x:2x2x1
jax: 0.10.2.dev20260603
libtpu: 0.0.44.dev20260713+nightly
codegen_flags: <defaults>
</compile_context>

<pallas_src>
import functools

import jax
import jax.numpy as jnp
from jax import lax
from jax.experimental import pallas as pl
from jax.experimental.pallas import tpu as pltpu
from jax.experimental.pallas import tpu_sc as plsc

_B, _S, _D = 1024, 200, 128
_E = 32
_N = _B * _S

_CG = 640


def _sc_gather(ner1d, table):
    info = plsc.get_sparse_core_info()
    nw = info.num_cores * info.num_subcores
    n = ner1d.shape[0]
    n_per_w = n // nw
    steps = n_per_w // _CG

    mesh = plsc.VectorSubcoreMesh(core_axis_name="c", subcore_axis_name="s")

    @functools.partial(
        pl.kernel,
        mesh=mesh,
        out_type=jax.ShapeDtypeStruct((n, _D), jnp.float32),
        compiler_params=pltpu.CompilerParams(use_tc_tiling_on_sc=False),
        scratch_types=[
            pltpu.VMEM((2, _CG), jnp.int32),
            pltpu.VMEM((2, _CG, _E), jnp.float32),
            pltpu.SemaphoreType.DMA((2,)),
            pltpu.SemaphoreType.DMA((2,)),
            pltpu.SemaphoreType.DMA((2,)),
        ],
    )
    def k(ner_hbm, table_hbm, emb_hbm, idx, rows, sem_i, sem_g, sem_r):
        wid = lax.axis_index("s") * info.num_cores + lax.axis_index("c")
        base = wid * n_per_w

        def iload(s):
            b = s % 2
            return pltpu.async_copy(
                ner_hbm.at[pl.ds(base + s * _CG, _CG)], idx.at[b],
                sem_i.at[b])

        def gath(s):
            b = s % 2
            return pltpu.async_copy(table_hbm.at[idx.at[b]], rows.at[b],
                                    sem_g.at[b])

        def rstore(s):
            b = s % 2
            return pltpu.async_copy(
                rows.at[b],
                emb_hbm.at[pl.ds(base + s * _CG, _CG), pl.ds(0, _E)],
                sem_r.at[b])

        gi = [None] * 2
        gg = [None] * 2
        gr = [None] * 2

        gi[0] = iload(0)
        gi[1] = iload(1)
        for s in range(steps):
            b = s % 2
            if s >= 1:
                gg[1 - b].wait()
                gr[1 - b] = rstore(s - 1)
                if s + 1 < steps:
                    gi[1 - b] = iload(s + 1)
            if s >= 2:
                gr[b].wait()
            gi[b].wait()
            gg[b] = gath(s)
        gg[(steps - 1) % 2].wait()
        gr[(steps - 1) % 2] = rstore(steps - 1)
        gr[steps % 2].wait()
        gr[(steps - 1) % 2].wait()

    return k(ner1d, table)


_SB = 8


def _tc_concat_t(x, emb3):
    def body(x_ref, e_ref, o_ref):
        for i in range(_SB):
            o_ref[i, 0:_D, :] = jnp.swapaxes(x_ref[:, i, :], 0, 1)
            o_ref[i, _D:_D + _E, :] = jnp.swapaxes(e_ref[:, i, 0:_E], 0, 1)

    return pl.pallas_call(
        body,
        grid=(_S // _SB,),
        in_specs=[
            pl.BlockSpec((_B, _SB, _D), lambda s: (0, s, 0)),
            pl.BlockSpec((_B, _SB, _D), lambda s: (0, s, 0)),
        ],
        out_specs=pl.BlockSpec((_SB, _D + _E, _B), lambda s: (s, 0, 0)),
        out_shape=jax.ShapeDtypeStruct((_S, _D + _E, _B), jnp.float32),
    )(x, emb3)


def kernel(x, ner, pos, entity_table):
    del pos
    ner1d = ner.reshape(_N).astype(jnp.int32)
    emb2d = _sc_gather(ner1d, entity_table)
    emb3 = emb2d.reshape(_B, _S, _D)
    out_t = _tc_concat_t(x, emb3)
    return out_t.transpose(2, 0, 1)

# --- scband reference (transcript-rebuilt; emitter-appended) ---
"""Pipeline reference for scband-embedding-12146167513759 (READ-ONLY COPY).

The authoritative reference and input builder live on the scoring server;
editing this copy changes nothing except your own understanding.
"""

import jax, jax.numpy as jnp
import numpy as np

ENTITY_VOCAB = 100000
ENTITY_DIM = 32
B, S, D = 1024, 200, 128


def setup_inputs(seed: int = 0) -> dict:
    key = jax.random.key(seed)
    k1, k2, k3, k4 = jax.random.split(key, 4)
    x = jax.random.normal(k1, (B, S, D), dtype=jnp.float32)
    ner = jax.random.randint(k2, (B, S), 0, ENTITY_VOCAB, dtype=jnp.int64 if jax.config.jax_enable_x64 else jnp.int32)
    pos = jax.random.randint(k3, (B, S), 0, 1000, dtype=jnp.int64 if jax.config.jax_enable_x64 else jnp.int32)
    # entity embedding table (nn.Embedding with padding_idx=0 -> row 0 is zeros)
    entity_table = jax.random.normal(k4, (ENTITY_VOCAB, ENTITY_DIM), dtype=jnp.float32)
    entity_table = entity_table.at[0].set(0.0)
    return {"x": x, "ner": ner, "pos": pos, "entity_table": entity_table}


def reference(x, ner, pos, entity_table):
    # ner_embed = self.entity_embedding(ner)
    ner_embed = jnp.take(entity_table, ner, axis=0)
    # x_embed = torch.cat([x, ner_embed], dim=-1)
    x_embed = jnp.concatenate([x, ner_embed], axis=-1)
    return x_embed

if __name__ == "__main__":
    import jax
    _d = setup_inputs()
    print(jax.jit(kernel)(*tuple(_d.values())))

</pallas_src>

<mosaic_0001>
#map = affine_map<(d0, d1) -> (0)>
#map1 = affine_map<(d0, d1) -> (0, 0)>
module attributes {stable_mosaic.version = 14 : i64} {
  func.func @k(%arg0: i32, %arg1: i32, %arg2: memref<204800xi32, #tpu.memory_space<hbm>>, %arg3: memref<100000x32xf32, #tpu.memory_space<hbm>>, %arg4: memref<204800x128xf32, #tpu.memory_space<hbm>>, %arg5: memref<2x640xi32, #tpu.memory_space<vmem>>, %arg6: memref<2x640x32xf32, #tpu.memory_space<vmem>>, %arg7: memref<2x!tpu.dma_semaphore, #tpu.memory_space<semaphore_mem>>, %arg8: memref<2x!tpu.dma_semaphore, #tpu.memory_space<semaphore_mem>>, %arg9: memref<2x!tpu.dma_semaphore, #tpu.memory_space<semaphore_mem>>) attributes {dimension_semantics = [#tpu.dimension_semantics<core_parallel>, #tpu.dimension_semantics<subcore_parallel>], iteration_bounds = array<i64: 2, 16>, scalar_prefetch = 0 : i64, scratch_operands = 5 : i64, tpu.core_type = #tpu.core_type<sc_vector_subcore>, window_params = [{transform_indices = #map}, {transform_indices = #map1}, {transform_indices = #map1}]} {
    %mul3A = arith.constant 2 : i32
    %mul3A_0 = arith.muli %arg1, %mul3A : i32
    %add3A = arith.addi %mul3A_0, %arg0 : i32
    %mul3A_1 = arith.constant 6400 : i32
    %mul3A_2 = arith.muli %add3A, %mul3A_1 : i32
    %add3A_3 = arith.constant 0 : i32
    %add3A_4 = arith.addi %mul3A_2, %add3A_3 : i32
    %dma_start3A = arith.constant 0 : i32
    %dma_start3A_5 = arith.constant 0 : i32
    %dma_start3A_6 = arith.constant 0 : i32
    %dma_start3A_7 = tpu.memref_slice %arg5[%dma_start3A, %dma_start3A_6] : memref<2x640xi32, #tpu.memory_space<vmem>> -> memref<1x640xi32, #tpu.memory_space<vmem>>
    %dma_start3A_8 = tpu.memref_squeeze %dma_start3A_7 : memref<1x640xi32, #tpu.memory_space<vmem>> -> memref<640xi32, #tpu.memory_space<vmem>>
    %dma_start3A_9 = tpu.memref_slice %arg2[%add3A_4] : memref<204800xi32, #tpu.memory_space<hbm>> -> memref<640xi32, #tpu.memory_space<hbm>>
    %dma_start3A_10 = tpu.memref_slice %arg7[%dma_start3A_5] : memref<2x!tpu.dma_semaphore, #tpu.memory_space<semaphore_mem>> -> memref<1x!tpu.dma_semaphore, #tpu.memory_space<semaphore_mem>>
    %dma_start3A_11 = tpu.memref_squeeze %dma_start3A_10 : memref<1x!tpu.dma_semaphore, #tpu.memory_space<semaphore_mem>> -> memref<!tpu.dma_semaphore, #tpu.memory_space<semaphore_mem>>
    %dma_start3A_12 = arith.constant 0 : i32
    %dma_start3A_13 = tpu.memref_slice %arg5[%dma_start3A, %dma_start3A_12] : memref<2x640xi32, #tpu.memory_space<vmem>> -> memref<1x640xi32, #tpu.memory_space<vmem>>
    %dma_start3A_14 = tpu.memref_squeeze %dma_start3A_13 : memref<1x640xi32, #tpu.memory_space<vmem>> -> memref<640xi32, #tpu.memory_space<vmem>>
    %dma_start3A_15 = tpu.memref_slice %arg2[%add3A_4] : memref<204800xi32, #tpu.memory_space<hbm>> -> memref<640xi32, #tpu.memory_space<hbm>>
    tpu.enqueue_dma source(%dma_start3A_15 : memref<640xi32, #tpu.memory_space<hbm>>) target(%dma_start3A_14 : memref<640xi32, #tpu.memory_space<vmem>>) target_semaphore(%dma_start3A_11 : memref<!tpu.dma_semaphore, #tpu.memory_space<semaphore_mem>>)
    %add3A_16 = arith.constant 640 : i32
    %add3A_17 = arith.addi %mul3A_2, %add3A_16 : i32
    %dma_start3A_18 = arith.constant 1 : i32
    %dma_start3A_19 = arith.constant 1 : i32
    %dma_start3A_20 = arith.constant 0 : i32
    %dma_start3A_21 = tpu.memref_slice %arg5[%dma_start3A_18, %dma_start3A_20] : memref<2x640xi32, #tpu.memory_space<vmem>> -> memref<1x640xi32, #tpu.memory_space<vmem>>
    %dma_start3A_22 = tpu.memref_squeeze %dma_start3A_21 : memref<1x640xi32, #tpu.memory_space<vmem>> -> memref<640xi32, #tpu.memory_space<vmem>>
    %dma_start3A_23 = tpu.memref_slice %arg2[%add3A_17] : memref<204800xi32, #tpu.memory_space<hbm>> -> memref<640xi32, #tpu.memory_space<hbm>>
    %dma_start3A_24 = tpu.memref_slice %arg7[%dma_start3A_19] : memref<2x!tpu.dma_semaphore, #tpu.memory_space<semaphore_mem>> -> memref<1x!tpu.dma_semaphore, #tpu.memory_space<semaphore_mem>>
    %dma_start3A_25 = tpu.memref_squeeze %dma_start3A_24 : memref<1x!tpu.dma_semaphore, #tpu.memory_space<semaphore_mem>> -> memref<!tpu.dma_semaphore, #tpu.memory_space<semaphore_mem>>
    %dma_start3A_26 = arith.constant 0 : i32
    %dma_start3A_27 = tpu.memref_slice %arg5[%dma_start3A_18, %dma_start3A_26] : memref<2x640xi32, #tpu.memory_space<vmem>> -> memref<1x640xi32, #tpu.memory_space<vmem>>
    %dma_start3A_28 = tpu.memref_squeeze %dma_start3A_27 : memref<1x640xi32, #tpu.memory_space<vmem>> -> memref<640xi32, #tpu.memory_space<vmem>>
    %dma_start3A_29 = tpu.memref_slice %arg2[%add3A_17] : memref<204800xi32, #tpu.memory_space<hbm>> -> memref<640xi32, #tpu.memory_space<hbm>>
    tpu.enqueue_dma source(%dma_start3A_29 : memref<640xi32, #tpu.memory_space<hbm>>) target(%dma_start3A_28 : memref<640xi32, #tpu.memory_space<vmem>>) target_semaphore(%dma_start3A_25 : memref<!tpu.dma_semaphore, #tpu.memory_space<semaphore_mem>>)
    %dma_wait3A = arith.constant 0 : i32
    %dma_wait3A_30 = arith.constant 0 : i32
    %dma_wait3A_31 = arith.constant 0 : i32
    %dma_wait3A_32 = tpu.memref_slice %arg5[%dma_wait3A, %dma_wait3A_31] : memref<2x640xi32, #tpu.memory_space<vmem>> -> memref<1x640xi32, #tpu.memory_space<vmem>>
    %dma_wait3A_33 = tpu.memref_squeeze %dma_wait3A_32 : memref<1x640xi32, #tpu.memory_space<vmem>> -> memref<640xi32, #tpu.memory_space<vmem>>
    %dma_wait3A_34 = tpu.memref_slice %arg2[%add3A_4] : memref<204800xi32, #tpu.memory_space<hbm>> -> memref<640xi32, #tpu.memory_space<hbm>>
    %dma_wait3A_35 = tpu.memref_slice %arg7[%dma_wait3A_30] : memref<2x!tpu.dma_semaphore, #tpu.memory_space<semaphore_mem>> -> memref<1x!tpu.dma_semaphore, #tpu.memory_space<semaphore_mem>>
    %dma_wait3A_36 = tpu.memref_squeeze %dma_wait3A_35 : memref<1x!tpu.dma_semaphore, #tpu.memory_space<semaphore_mem>> -> memref<!tpu.dma_semaphore, #tpu.memory_space<semaphore_mem>>
    %dma_wait3A_37 = arith.constant 0 : i32
    %dma_wait3A_38 = tpu.memref_slice %arg5[%dma_wait3A, %dma_wait3A_37] : memref<2x640xi32, #tpu.memory_space<vmem>> -> memref<1x640xi32, #tpu.memory_space<vmem>>
    %dma_wait3A_39 = tpu.memref_squeeze %dma_wait3A_38 : memref<1x640xi32, #tpu.memory_space<vmem>> -> memref<640xi32, #tpu.memory_space<vmem>>
    %dma_wait3A_40 = tpu.memref_slice %arg2[%add3A_4] : memref<204800xi32, #tpu.memory_space<hbm>> -> memref<640xi32, #tpu.memory_space<hbm>>
    tpu.wait_dma2 semaphore(%dma_wait3A_36 : memref<!tpu.dma_semaphore, #tpu.memory_space<semaphore_mem>>) src(%dma_wait3A_40 : memref<640xi32, #tpu.memory_space<hbm>>) dst(%dma_wait3A_39 : memref<640xi32, #tpu.memory_space<vmem>>)
    %dma_start3A_41 = arith.constant 0 : i32
    %dma_start3A_42 = arith.constant 0 : i32
    %dma_start3A_43 = arith.constant 0 : i32
    %dma_start3A_44 = arith.constant 0 : i32
    %dma_start3A_45 = arith.constant 0 : i32
    %dma_start3A_46 = tpu.memref_slice %arg6[%dma_start3A_42, %dma_start3A_44, %dma_start3A_45] : memref<2x640x32xf32, #tpu.memory_space<vmem>> -> memref<1x640x32xf32, #tpu.memory_space<vmem>>
    %dma_start3A_47 = tpu.memref_squeeze %dma_start3A_46 : memref<1x640x32xf32, #tpu.memory_space<vmem>> -> memref<640x32xf32, #tpu.memory_space<vmem>>
    %dma_start3A_48 = arith.constant 0 : i32
    %dma_start3A_49 = tpu.memref_slice %arg5[%dma_start3A_41, %dma_start3A_48] : memref<2x640xi32, #tpu.memory_space<vmem>> -> memref<1x640xi32, #tpu.memory_space<vmem>>
    %dma_start3A_50 = tpu.memref_squeeze %dma_start3A_49 : memref<1x640xi32, #tpu.memory_space<vmem>> -> memref<640xi32, #tpu.memory_space<vmem>>
    %dma_start3A_51 = arith.constant 0 : i32
    %dma_start3A_52 = arith.constant 0 : i32
    %dma_start3A_53 = tpu.memref_slice %arg3[%dma_start3A_51, %dma_start3A_52] : memref<100000x32xf32, #tpu.memory_space<hbm>> -> memref<100000x32xf32, #tpu.memory_space<hbm>>
    %dma_start3A_54 = tpu.memref_slice %arg8[%dma_start3A_43] : memref<2x!tpu.dma_semaphore, #tpu.memory_space<semaphore_mem>> -> memref<1x!tpu.dma_semaphore, #tpu.memory_space<semaphore_mem>>
    %dma_start3A_55 = tpu.memref_squeeze %dma_start3A_54 : memref<1x!tpu.dma_semaphore, #tpu.memory_space<semaphore_mem>> -> memref<!tpu.dma_semaphore, #tpu.memory_space<semaphore_mem>>
    tpu.enqueue_indirect_dma source(%dma_start3A_53 : memref<100000x32xf32, #tpu.memory_space<hbm>>) target(%dma_start3A_47 : memref<640x32xf32, #tpu.memory_space<vmem>>) offsets(%dma_start3A_50 : memref<640xi32, #tpu.memory_space<vmem>>) semaphore(%dma_start3A_55 : memref<!tpu.dma_semaphore, #tpu.memory_space<semaphore_mem>>)
    %dma_wait3A_56 = arith.constant 0 : i32
    %dma_wait3A_57 = arith.constant 0 : i32
    %dma_wait3A_58 = arith.constant 0 : i32
    %dma_wait3A_59 = arith.constant 0 : i32
    %dma_wait3A_60 = arith.constant 0 : i32
    %dma_wait3A_61 = tpu.memref_slice %arg6[%dma_wait3A_57, %dma_wait3A_59, %dma_wait3A_60] : memref<2x640x32xf32, #tpu.memory_space<vmem>> -> memref<1x640x32xf32, #tpu.memory_space<vmem>>
    %dma_wait3A_62 = tpu.memref_squeeze %dma_wait3A_61 : memref<1x640x32xf32, #tpu.memory_space<vmem>> -> memref<640x32xf32, #tpu.memory_space<vmem>>
    %dma_wait3A_63 = arith.constant 0 : i32
    %dma_wait3A_64 = tpu.memref_slice %arg5[%dma_wait3A_56, %dma_wait3A_63] : memref<2x640xi32, #tpu.memory_space<vmem>> -> memref<1x640xi32, #tpu.memory_space<vmem>>
    %dma_wait3A_65 = tpu.memref_squeeze %dma_wait3A_64 : memref<1x640xi32, #tpu.memory_space<vmem>> -> memref<640xi32, #tpu.memory_space<vmem>>
    %dma_wait3A_66 = arith.constant 0 : i32
    %dma_wait3A_67 = arith.constant 0 : i32
    %dma_wait3A_68 = tpu.memref_slice %arg3[%dma_wait3A_66, %dma_wait3A_67] : memref<100000x32xf32, #tpu.memory_space<hbm>> -> memref<100000x32xf32, #tpu.memory_space<hbm>>
    %dma_wait3A_69 = tpu.memref_slice %arg8[%dma_wait3A_58] : memref<2x!tpu.dma_semaphore, #tpu.memory_space<semaphore_mem>> -> memref<1x!tpu.dma_semaphore, #tpu.memory_space<semaphore_mem>>
    %dma_wait3A_70 = tpu.memref_squeeze %dma_wait3A_69 : memref<1x!tpu.dma_semaphore, #tpu.memory_space<semaphore_mem>> -> memref<!tpu.dma_semaphore, #tpu.memory_space<semaphore_mem>>
    tpu.wait_indirect_dma semaphore(%dma_wait3A_70 : memref<!tpu.dma_semaphore, #tpu.memory_space<semaphore_mem>>) src(%dma_wait3A_68 : memref<100000x32xf32, #tpu.memory_space<hbm>>) dst(%dma_wait3A_62 : memref<640x32xf32, #tpu.memory_space<vmem>>)
    %add3A_71 = arith.constant 0 : i32
    %add3A_72 = arith.addi %mul3A_2, %add3A_71 : i32
    %dma_start3A_73 = arith.constant 0 : i32
    %dma_start3A_74 = arith.constant 0 : i32
    %dma_start3A_75 = arith.constant 0 : i32
    %dma_start3A_76 = arith.constant 0 : i32
    %dma_start3A_77 = tpu.memref_slice %arg6[%dma_start3A_73, %dma_start3A_75, %dma_start3A_76] : memref<2x640x32xf32, #tpu.memory_space<vmem>> -> memref<1x640x32xf32, #tpu.memory_space<vmem>>
    %dma_start3A_78 = tpu.memref_squeeze %dma_start3A_77 : memref<1x640x32xf32, #tpu.memory_space<vmem>> -> memref<640x32xf32, #tpu.memory_space<vmem>>
    %dma_start3A_79 = arith.constant 0 : i32
    %dma_start3A_80 = tpu.memref_slice %arg4[%add3A_72, %dma_start3A_79] : memref<204800x128xf32, #tpu.memory_space<hbm>> -> memref<640x32xf32, #tpu.memory_space<hbm>>
    %dma_start3A_81 = tpu.memref_slice %arg9[%dma_start3A_74] : memref<2x!tpu.dma_semaphore, #tpu.memory_space<semaphore_mem>> -> memref<1x!tpu.dma_semaphore, #tpu.memory_space<semaphore_mem>>
    %dma_start3A_82 = tpu.memref_squeeze %dma_start3A_81 : memref<1x!tpu.dma_semaphore, #tpu.memory_space<semaphore_mem>> -> memref<!tpu.dma_semaphore, #tpu.memory_space<semaphore_mem>>
    %dma_start3A_83 = arith.constant 0 : i32
    %dma_start3A_84 = tpu.memref_slice %arg4[%add3A_72, %dma_start3A_83] : memref<204800x128xf32, #tpu.memory_space<hbm>> -> memref<640x32xf32, #tpu.memory_space<hbm>>
    %dma_start3A_85 = arith.constant 0 : i32
    %dma_start3A_86 = arith.constant 0 : i32
    %dma_start3A_87 = tpu.memref_slice %arg6[%dma_start3A_73, %dma_start3A_85, %dma_start3A_86] : memref<2x640x32xf32, #tpu.memory_space<vmem>> -> memref<1x640x32xf32, #tpu.memory_space<vmem>>
    %dma_start3A_88 = tpu.memref_squeeze %dma_start3A_87 : memref<1x640x32xf32, #tpu.memory_space<vmem>> -> memref<640x32xf32, #tpu.memory_space<vmem>>
    tpu.enqueue_dma source(%dma_start3A_88 : memref<640x32xf32, #tpu.memory_space<vmem>>) target(%dma_start3A_84 : memref<640x32xf32, #tpu.memory_space<hbm>>) target_semaphore(%dma_start3A_82 : memref<!tpu.dma_semaphore, #tpu.memory_space<semaphore_mem>>)
    %add3A_89 = arith.constant 1280 : i32
    %add3A_90 = arith.addi %mul3A_2, %add3A_89 : i32
    %dma_start3A_91 = arith.constant 0 : i32
    %dma_start3A_92 = arith.constant 0 : i32
    %dma_start3A_93 = arith.constant 0 : i32
    %dma_start3A_94 = tpu.memref_slice %arg5[%dma_start3A_91, %dma_start3A_93] : memref<2x640xi32, #tpu.memory_space<vmem>> -> memref<1x640xi32, #tpu.memory_space<vmem>>
    %dma_start3A_95 = tpu.memref_squeeze %dma_start3A_94 : memref<1x640xi32, #tpu.memory_space<vmem>> -> memref<640xi32, #tpu.memory_space<vmem>>
    %dma_start3A_96 = tpu.memref_slice %arg2[%add3A_90] : memref<204800xi32, #tpu.memory_space<hbm>> -> memref<640xi32, #tpu.memory_space<hbm>>
    %dma_start3A_97 = tpu.memref_slice %arg7[%dma_start3A_92] : memref<2x!tpu.dma_semaphore, #tpu.memory_space<semaphore_mem>> -> memref<1x!tpu.dma_semaphore, #tpu.memory_space<semaphore_mem>>
    %dma_start3A_98 = tpu.memref_squeeze %dma_start3A_97 : memref<1x!tpu.dma_semaphore, #tpu.memory_space<semaphore_mem>> -> memref<!tpu.dma_semaphore, #tpu.memory_space<semaphore_mem>>
    %dma_start3A_99 = arith.constant 0 : i32
    %dma_start3A_100 = tpu.memref_slice %arg5[%dma_start3A_91, %dma_start3A_99] : memref<2x640xi32, #tpu.memory_space<vmem>> -> memref<1x640xi32, #tpu.memory_space<vmem>>
    %dma_start3A_101 = tpu.memref_squeeze %dma_start3A_100 : memref<1x640xi32, #tpu.memory_space<vmem>> -> memref<640xi32, #tpu.memory_space<vmem>>
    %dma_start3A_102 = tpu.memref_slice %arg2[%add3A_90] : memref<204800xi32, #tpu.memory_space<hbm>> -> memref<640xi32, #tpu.memory_space<hbm>>
    tpu.enqueue_dma source(%dma_start3A_102 : memref<640xi32, #tpu.memory_space<hbm>>) target(%dma_start3A_101 : memref<640xi32, #tpu.memory_space<vmem>>) target_semaphore(%dma_start3A_98 : memref<!tpu.dma_semaphore, #tpu.memory_space<semaphore_mem>>)
    %dma_wait3A_103 = arith.constant 1 : i32
    %dma_wait3A_104 = arith.constant 1 : i32
    %dma_wait3A_105 = arith.constant 0 : i32
    %dma_wait3A_106 = tpu.memref_slice %arg5[%dma_wait3A_103, %dma_wait3A_105] : memref<2x640xi32, #tpu.memory_space<vmem>> -> memref<1x640xi32, #tpu.memory_space<vmem>>
    %dma_wait3A_107 = tpu.memref_squeeze %dma_wait3A_106 : memref<1x640xi32, #tpu.memory_space<vmem>> -> memref<640xi32, #tpu.memory_space<vmem>>
    %dma_wait3A_108 = tpu.memref_slice %arg2[%add3A_17] : memref<204800xi32, #tpu.memory_space<hbm>> -> memref<640xi32, #tpu.memory_space<hbm>>
    %dma_wait3A_109 = tpu.memref_slice %arg7[%dma_wait3A_104] : memref<2x!tpu.dma_semaphore, #tpu.memory_space<semaphore_mem>> -> memref<1x!tpu.dma_semaphore, #tpu.memory_space<semaphore_mem>>
    %dma_wait3A_110 = tpu.memref_squeeze %dma_wait3A_109 : memref<1x!tpu.dma_semaphore, #tpu.memory_space<semaphore_mem>> -> memref<!tpu.dma_semaphore, #tpu.memory_space<semaphore_mem>>
    %dma_wait3A_111 = arith.constant 0 : i32
    %dma_wait3A_112 = tpu.memref_slice %arg5[%dma_wait3A_103, %dma_wait3A_111] : memref<2x640xi32, #tpu.memory_space<vmem>> -> memref<1x640xi32, #tpu.memory_space<vmem>>
    %dma_wait3A_113 = tpu.memref_squeeze %dma_wait3A_112 : memref<1x640xi32, #tpu.memory_space<vmem>> -> memref<640xi32, #tpu.memory_space<vmem>>
    %dma_wait3A_114 = tpu.memref_slice %arg2[%add3A_17] : memref<204800xi32, #tpu.memory_space<hbm>> -> memref<640xi32, #tpu.memory_space<hbm>>
    tpu.wait_dma2 semaphore(%dma_wait3A_110 : memref<!tpu.dma_semaphore, #tpu.memory_space<semaphore_mem>>) src(%dma_wait3A_114 : memref<640xi32, #tpu.memory_space<hbm>>) dst(%dma_wait3A_113 : memref<640xi32, #tpu.memory_space<vmem>>)
    %dma_start3A_115 = arith.constant 1 : i32
    %dma_start3A_116 = arith.constant 1 : i32
    %dma_start3A_117 = arith.constant 1 : i32
    %dma_start3A_118 = arith.constant 0 : i32
    %dma_start3A_119 = arith.constant 0 : i32
    %dma_start3A_120 = tpu.memref_slice %arg6[%dma_start3A_116, %dma_start3A_118, %dma_start3A_119] : memref<2x640x32xf32, #tpu.memory_space<vmem>> -> memref<1x640x32xf32, #tpu.memory_space<vmem>>
    %dma_start3A_121 = tpu.memref_squeeze %dma_start3A_120 : memref<1x640x32xf32, #tpu.memory_space<vmem>> -> memref<640x32xf32, #tpu.memory_space<vmem>>
    %dma_start3A_122 = arith.constant 0 : i32
    %dma_start3A_123 = tpu.memref_slice %arg5[%dma_start3A_115, %dma_start3A_122] : memref<2x640xi32, #tpu.memory_space<vmem>> -> memref<1x640xi32, #tpu.memory_space<vmem>>
    %dma_start3A_124 = tpu.memref_squeeze %dma_start3A_123 : memref<1x640xi32, #tpu.memory_space<vmem>> -> memref<640xi32, #tpu.memory_space<vmem>>
    %dma_start3A_125 = arith.constant 0 : i32
    %dma_start3A_126 = arith.constant 0 : i32
    %dma_start3A_127 = tpu.memref_slice %arg3[%dma_start3A_125, %dma_start3A_126] : memref<100000x32xf32, #tpu.memory_space<hbm>> -> memref<100000x32xf32, #tpu.memory_space<hbm>>
    %dma_start3A_128 = tpu.memref_slice %arg8[%dma_start3A_117] : memref<2x!tpu.dma_semaphore, #tpu.memory_space<semaphore_mem>> -> memref<1x!tpu.dma_semaphore, #tpu.memory_space<semaphore_mem>>
    %dma_start3A_129 = tpu.memref_squeeze %dma_start3A_128 : memref<1x!tpu.dma_semaphore, #tpu.memory_space<semaphore_mem>> -> memref<!tpu.dma_semaphore, #tpu.memory_space<semaphore_mem>>
    tpu.enqueue_indirect_dma source(%dma_start3A_127 : memref<100000x32xf32, #tpu.memory_space<hbm>>) target(%dma_start3A_121 : memref<640x32xf32, #tpu.memory_space<vmem>>) offsets(%dma_start3A_124 : memref<640xi32, #tpu.memory_space<vmem>>) semaphore(%dma_start3A_129 : memref<!tpu.dma_semaphore, #tpu.memory_space<semaphore_mem>>)
    %dma_wait3A_130 = arith.constant 1 : i32
    %dma_wait3A_131 = arith.constant 1 : i32
    %dma_wait3A_132 = arith.constant 1 : i32
    %dma_wait3A_133 = arith.constant 0 : i32
    %dma_wait3A_134 = arith.constant 0 : i32
    %dma_wait3A_135 = tpu.memref_slice %arg6[%dma_wait3A_131, %dma_wait3A_133, %dma_wait3A_134] : memref<2x640x32xf32, #tpu.memory_space<vmem>> -> memref<1x640x32xf32, #tpu.memory_space<vmem>>
    %dma_wait3A_136 = tpu.memref_squeeze %dma_wait3A_135 : memref<1x640x32xf32, #tpu.memory_space<vmem>> -> memref<640x32xf32, #tpu.memory_space<vmem>>
    %dma_wait3A_137 = arith.constant 0 : i32
    %dma_wait3A_138 = tpu.memref_slice %arg5[%dma_wait3A_130, %dma_wait3A_137] : memref<2x640xi32, #tpu.memory_space<vmem>> -> memref<1x640xi32, #tpu.memory_space<vmem>>
    %dma_wait3A_139 = tpu.memref_squeeze %dma_wait3A_138 : memref<1x640xi32, #tpu.memory_space<vmem>> -> memref<640xi32, #tpu.memory_space<vmem>>
    %dma_wait3A_140 = arith.constant 0 : i32
    %dma_wait3A_141 = arith.constant 0 : i32
    %dma_wait3A_142 = tpu.memref_slice %arg3[%dma_wait3A_140, %dma_wait3A_141] : memref<100000x32xf32, #tpu.memory_space<hbm>> -> memref<100000x32xf32, #tpu.memory_space<hbm>>
    %dma_wait3A_143 = tpu.memref_slice %arg8[%dma_wait3A_132] : memref<2x!tpu.dma_semaphore, #tpu.memory_space<semaphore_mem>> -> memref<1x!tpu.dma_semaphore, #tpu.memory_space<semaphore_mem>>
    %dma_wait3A_144 = tpu.memref_squeeze %dma_wait3A_143 : memref<1x!tpu.dma_semaphore, #tpu.memory_space<semaphore_mem>> -> memref<!tpu.dma_semaphore, #tpu.memory_space<semaphore_mem>>
    tpu.wait_indirect_dma semaphore(%dma_wait3A_144 : memref<!tpu.dma_semaphore, #tpu.memory_space<semaphore_mem>>) src(%dma_wait3A_142 : memref<100000x32xf32, #tpu.memory_space<hbm>>) dst(%dma_wait3A_136 : memref<640x32xf32, #tpu.memory_space<vmem>>)
    %add3A_145 = arith.constant 640 : i32
    %add3A_146 = arith.addi %mul3A_2, %add3A_145 : i32
    %dma_start3A_147 = arith.constant 1 : i32
    %dma_start3A_148 = arith.constant 1 : i32
    %dma_start3A_149 = arith.constant 0 : i32
    %dma_start3A_150 = arith.constant 0 : i32
    %dma_start3A_151 = tpu.memref_slice %arg6[%dma_start3A_147, %dma_start3A_149, %dma_start3A_150] : memref<2x640x32xf32, #tpu.memory_space<vmem>> -> memref<1x640x32xf32, #tpu.memory_space<vmem>>
    %dma_start3A_152 = tpu.memref_squeeze %dma_start3A_151 : memref<1x640x32xf32, #tpu.memory_space<vmem>> -> memref<640x32xf32, #tpu.memory_space<vmem>>
    %dma_start3A_153 = arith.constant 0 : i32
    %dma_start3A_154 = tpu.memref_slice %arg4[%add3A_146, %dma_start3A_153] : memref<204800x128xf32, #tpu.memory_space<hbm>> -> memref<640x32xf32, #tpu.memory_space<hbm>>
    %dma_start3A_155 = tpu.memref_slice %arg9[%dma_start3A_148] : memref<2x!tpu.dma_semaphore, #tpu.memory_space<semaphore_mem>> -> memref<1x!tpu.dma_semaphore, #tpu.memory_space<semaphore_mem>>
    %dma_start3A_156 = tpu.memref_squeeze %dma_start3A_155 : memref<1x!tpu.dma_semaphore, #tpu.memory_space<semaphore_mem>> -> memref<!tpu.dma_semaphore, #tpu.memory_space<semaphore_mem>>
    %dma_start3A_157 = arith.constant 0 : i32
    %dma_start3A_158 = tpu.memref_slice %arg4[%add3A_146, %dma_start3A_157] : memref<204800x128xf32, #tpu.memory_space<hbm>> -> memref<640x32xf32, #tpu.memory_space<hbm>>
    %dma_start3A_159 = arith.constant 0 : i32
    %dma_start3A_160 = arith.constant 0 : i32
    %dma_start3A_161 = tpu.memref_slice %arg6[%dma_start3A_147, %dma_start3A_159, %dma_start3A_160] : memref<2x640x32xf32, #tpu.memory_space<vmem>> -> memref<1x640x32xf32, #tpu.memory_space<vmem>>
    %dma_start3A_162 = tpu.memref_squeeze %dma_start3A_161 : memref<1x640x32xf32, #tpu.memory_space<vmem>> -> memref<640x32xf32, #tpu.memory_space<vmem>>
    tpu.enqueue_dma source(%dma_start3A_162 : memref<640x32xf32, #tpu.memory_space<vmem>>) target(%dma_start3A_158 : memref<640x32xf32, #tpu.memory_space<hbm>>) target_semaphore(%dma_start3A_156 : memref<!tpu.dma_semaphore, #tpu.memory_space<semaphore_mem>>)
    %add3A_163 = arith.constant 1920 : i32
    %add3A_164 = arith.addi %mul3A_2, %add3A_163 : i32
    %dma_start3A_165 = arith.constant 1 : i32
    %dma_start3A_166 = arith.constant 1 : i32
    %dma_start3A_167 = arith.constant 0 : i32
    %dma_start3A_168 = tpu.memref_slice %arg5[%dma_start3A_165, %dma_start3A_167] : memref<2x640xi32, #tpu.memory_space<vmem>> -> memref<1x640xi32, #tpu.memory_space<vmem>>
    %dma_start3A_169 = tpu.memref_squeeze %dma_start3A_168 : memref<1x640xi32, #tpu.memory_space<vmem>> -> memref<640xi32, #tpu.memory_space<vmem>>
    %dma_start3A_170 = tpu.memref_slice %arg2[%add3A_164] : memref<204800xi32, #tpu.memory_space<hbm>> -> memref<640xi32, #tpu.memory_space<hbm>>
    %dma_start3A_171 = tpu.memref_slice %arg7[%dma_start3A_166] : memref<2x!tpu.dma_semaphore, #tpu.memory_space<semaphore_mem>> -> memref<1x!tpu.dma_semaphore, #tpu.memory_space<semaphore_mem>>
    %dma_start3A_172 = tpu.memref_squeeze %dma_start3A_171 : memref<1x!tpu.dma_semaphore, #tpu.memory_space<semaphore_mem>> -> memref<!tpu.dma_semaphore, #tpu.memory_space<semaphore_mem>>
    %dma_start3A_173 = arith.constant 0 : i32
    %dma_start3A_174 = tpu.memref_slice %arg5[%dma_start3A_165, %dma_start3A_173] : memref<2x640xi32, #tpu.memory_space<vmem>> -> memref<1x640xi32, #tpu.memory_space<vmem>>
    %dma_start3A_175 = tpu.memref_squeeze %dma_start3A_174 : memref<1x640xi32, #tpu.memory_space<vmem>> -> memref<640xi32, #tpu.memory_space<vmem>>
    %dma_start3A_176 = tpu.memref_slice %arg2[%add3A_164] : memref<204800xi32, #tpu.memory_space<hbm>> -> memref<640xi32, #tpu.memory_space<hbm>>
    tpu.enqueue_dma source(%dma_start3A_176 : memref<640xi32, #tpu.memory_space<hbm>>) target(%dma_start3A_175 : memref<640xi32, #tpu.memory_space<vmem>>) target_semaphore(%dma_start3A_172 : memref<!tpu.dma_semaphore, #tpu.memory_space<semaphore_mem>>)
    %dma_wait3A_177 = arith.constant 0 : i32
    %dma_wait3A_178 = arith.constant 0 : i32
    %dma_wait3A_179 = arith.constant 0 : i32
    %dma_wait3A_180 = arith.constant 0 : i32
    %dma_wait3A_181 = tpu.memref_slice %arg6[%dma_wait3A_177, %dma_wait3A_179, %dma_wait3A_180] : memref<2x640x32xf32, #tpu.memory_space<vmem>> -> memref<1x640x32xf32, #tpu.memory_space<vmem>>
    %dma_wait3A_182 = tpu.memref_squeeze %dma_wait3A_181 : memref<1x640x32xf32, #tpu.memory_space<vmem>> -> memref<640x32xf32, #tpu.memory_space<vmem>>
    %dma_wait3A_183 = arith.constant 0 : i32
    %dma_wait3A_184 = tpu.memref_slice %arg4[%add3A_72, %dma_wait3A_183] : memref<204800x128xf32, #tpu.memory_space<hbm>> -> memref<640x32xf32, #tpu.memory_space<hbm>>
    %dma_wait3A_185 = tpu.memref_slice %arg9[%dma_wait3A_178] : memref<2x!tpu.dma_semaphore, #tpu.memory_space<semaphore_mem>> -> memref<1x!tpu.dma_semaphore, #tpu.memory_space<semaphore_mem>>
    %dma_wait3A_186 = tpu.memref_squeeze %dma_wait3A_185 : memref<1x!tpu.dma_semaphore, #tpu.memory_space<semaphore_mem>> -> memref<!tpu.dma_semaphore, #tpu.memory_space<semaphore_mem>>
    %dma_wait3A_187 = arith.constant 0 : i32
    %dma_wait3A_188 = tpu.memref_slice %arg4[%add3A_72, %dma_wait3A_187] : memref<204800x128xf32, #tpu.memory_space<hbm>> -> memref<640x32xf32, #tpu.memory_space<hbm>>
    %dma_wait3A_189 = arith.constant 0 : i32
    %dma_wait3A_190 = arith.constant 0 : i32
    %dma_wait3A_191 = tpu.memref_slice %arg6[%dma_wait3A_177, %dma_wait3A_189, %dma_wait3A_190] : memref<2x640x32xf32, #tpu.memory_space<vmem>> -> memref<1x640x32xf32, #tpu.memory_space<vmem>>
    %dma_wait3A_192 = tpu.memref_squeeze %dma_wait3A_191 : memref<1x640x32xf32, #tpu.memory_space<vmem>> -> memref<640x32xf32, #tpu.memory_space<vmem>>
    tpu.wait_dma2 semaphore(%dma_wait3A_186 : memref<!tpu.dma_semaphore, #tpu.memory_space<semaphore_mem>>) src(%dma_wait3A_192 : memref<640x32xf32, #tpu.memory_space<vmem>>) dst(%dma_wait3A_188 : memref<640x32xf32, #tpu.memory_space<hbm>>)
    %dma_wait3A_193 = arith.constant 0 : i32
    %dma_wait3A_194 = arith.constant 0 : i32
    %dma_wait3A_195 = arith.constant 0 : i32
    %dma_wait3A_196 = tpu.memref_slice %arg5[%dma_wait3A_193, %dma_wait3A_195] : memref<2x640xi32, #tpu.memory_space<vmem>> -> memref<1x640xi32, #tpu.memory_space<vmem>>
    %dma_wait3A_197 = tpu.memref_squeeze %dma_wait3A_196 : memref<1x640xi32, #tpu.memory_space<vmem>> -> memref<640xi32, #tpu.memory_space<vmem>>
    %dma_wait3A_198 = tpu.memref_slice %arg2[%add3A_90] : memref<204800xi32, #tpu.memory_space<hbm>> -> memref<640xi32, #tpu.memory_space<hbm>>
    %dma_wait3A_199 = tpu.memref_slice %arg7[%dma_wait3A_194] : memref<2x!tpu.dma_semaphore, #tpu.memory_space<semaphore_mem>> -> memref<1x!tpu.dma_semaphore, #tpu.memory_space<semaphore_mem>>
    %dma_wait3A_200 = tpu.memref_squeeze %dma_wait3A_199 : memref<1x!tpu.dma_semaphore, #tpu.memory_space<semaphore_mem>> -> memref<!tpu.dma_semaphore, #tpu.memory_space<semaphore_mem>>
    %dma_wait3A_201 = arith.constant 0 : i32
    %dma_wait3A_202 = tpu.memref_slice %arg5[%dma_wait3A_193, %dma_wait3A_201] : memref<2x640xi32, #tpu.memory_space<vmem>> -> memref<1x640xi32, #tpu.memory_space<vmem>>
    %dma_wait3A_203 = tpu.memref_squeeze %dma_wait3A_202 : memref<1x640xi32, #tpu.memory_space<vmem>> -> memref<640xi32, #tpu.memory_space<vmem>>
    %dma_wait3A_204 = tpu.memref_slice %arg2[%add3A_90] : memref<204800xi32, #tpu.memory_space<hbm>> -> memref<640xi32, #tpu.memory_space<hbm>>
    tpu.wait_dma2 semaphore(%dma_wait3A_200 : memref<!tpu.dma_semaphore, #tpu.memory_space<semaphore_mem>>) src(%dma_wait3A_204 : memref<640xi32, #tpu.memory_space<hbm>>) dst(%dma_wait3A_203 : memref<640xi32, #tpu.memory_space<vmem>>)
    %dma_start3A_205 = arith.constant 0 : i32
    %dma_start3A_206 = arith.constant 0 : i32
    %dma_start3A_207 = arith.constant 0 : i32
    %dma_start3A_208 = arith.constant 0 : i32
    %dma_start3A_209 = arith.constant 0 : i32
    %dma_start3A_210 = tpu.memref_slice %arg6[%dma_start3A_206, %dma_start3A_208, %dma_start3A_209] : memref<2x640x32xf32, #tpu.memory_space<vmem>> -> memref<1x640x32xf32, #tpu.memory_space<vmem>>
    %dma_start3A_211 = tpu.memref_squeeze %dma_start3A_210 : memref<1x640x32xf32, #tpu.memory_space<vmem>> -> memref<640x32xf32, #tpu.memory_space<vmem>>
    %dma_start3A_212 = arith.constant 0 : i32
    %dma_start3A_213 = tpu.memref_slice %arg5[%dma_start3A_205, %dma_start3A_212] : memref<2x640xi32, #tpu.memory_space<vmem>> -> memref<1x640xi32, #tpu.memory_space<vmem>>
    %dma_start3A_214 = tpu.memref_squeeze %dma_start3A_213 : memref<1x640xi32, #tpu.memory_space<vmem>> -> memref<640xi32, #tpu.memory_space<vmem>>
    %dma_start3A_215 = arith.constant 0 : i32
    %dma_start3A_216 = arith.constant 0 : i32
    %dma_start3A_217 = tpu.memref_slice %arg3[%dma_start3A_215, %dma_start3A_216] : memref<100000x32xf32, #tpu.memory_space<hbm>> -> memref<100000x32xf32, #tpu.memory_space<hbm>>
    %dma_start3A_218 = tpu.memref_slice %arg8[%dma_start3A_207] : memref<2x!tpu.dma_semaphore, #tpu.memory_space<semaphore_mem>> -> memref<1x!tpu.dma_semaphore, #tpu.memory_space<semaphore_mem>>
    %dma_start3A_219 = tpu.memref_squeeze %dma_start3A_218 : memref<1x!tpu.dma_semaphore, #tpu.memory_space<semaphore_mem>> -> memref<!tpu.dma_semaphore, #tpu.memory_space<semaphore_mem>>
    tpu.enqueue_indirect_dma source(%dma_start3A_217 : memref<100000x32xf32, #tpu.memory_space<hbm>>) target(%dma_start3A_211 : memref<640x32xf32, #tpu.memory_space<vmem>>) offsets(%dma_start3A_214 : memref<640xi32, #tpu.memory_space<vmem>>) semaphore(%dma_start3A_219 : memref<!tpu.dma_semaphore, #tpu.memory_space<semaphore_mem>>)
    %dma_wait3A_220 = arith.constant 0 : i32
    %dma_wait3A_221 = arith.constant 0 : i32
    %dma_wait3A_222 = arith.constant 0 : i32
    %dma_wait3A_223 = arith.constant 0 : i32
    %dma_wait3A_224 = arith.constant 0 : i32
    %dma_wait3A_225 = tpu.memref_slice %arg6[%dma_wait3A_221, %dma_wait3A_223, %dma_wait3A_224] : memref<2x640x32xf32, #tpu.memory_space<vmem>> -> memref<1x640x32xf32, #tpu.memory_space<vmem>>
    %dma_wait3A_226 = tpu.memref_squeeze %dma_wait3A_225 : memref<1x640x32xf32, #tpu.memory_space<vmem>> -> memref<640x32xf32, #tpu.memory_space<vmem>>
    %dma_wait3A_227 = arith.constant 0 : i32
    %dma_wait3A_228 = tpu.memref_slice %arg5[%dma_wait3A_220, %dma_wait3A_227] : memref<2x640xi32, #tpu.memory_space<vmem>> -> memref<1x640xi32, #tpu.memory_space<vmem>>
    %dma_wait3A_229 = tpu.memref_squeeze %dma_wait3A_228 : memref<1x640xi32, #tpu.memory_space<vmem>> -> memref<640xi32, #tpu.memory_space<vmem>>
    %dma_wait3A_230 = arith.constant 0 : i32
    %dma_wait3A_231 = arith.constant 0 : i32
    %dma_wait3A_232 = tpu.memref_slice %arg3[%dma_wait3A_230, %dma_wait3A_231] : memref<100000x32xf32, #tpu.memory_space<hbm>> -> memref<100000x32xf32, #tpu.memory_space<hbm>>
    %dma_wait3A_233 = tpu.memref_slice %arg8[%dma_wait3A_222] : memref<2x!tpu.dma_semaphore, #tpu.memory_space<semaphore_mem>> -> memref<1x!tpu.dma_semaphore, #tpu.memory_space<semaphore_mem>>
    %dma_wait3A_234 = tpu.memref_squeeze %dma_wait3A_233 : memref<1x!tpu.dma_semaphore, #tpu.memory_space<semaphore_mem>> -> memref<!tpu.dma_semaphore, #tpu.memory_space<semaphore_mem>>
    tpu.wait_indirect_dma semaphore(%dma_wait3A_234 : memref<!tpu.dma_semaphore, #tpu.memory_space<semaphore_mem>>) src(%dma_wait3A_232 : memref<100000x32xf32, #tpu.memory_space<hbm>>) dst(%dma_wait3A_226 : memref<640x32xf32, #tpu.memory_space<vmem>>)
    %add3A_235 = arith.constant 1280 : i32
    %add3A_236 = arith.addi %mul3A_2, %add3A_235 : i32
    %dma_start3A_237 = arith.constant 0 : i32
    %dma_start3A_238 = arith.constant 0 : i32
    %dma_start3A_239 = arith.constant 0 : i32
    %dma_start3A_240 = arith.constant 0 : i32
    %dma_start3A_241 = tpu.memref_slice %arg6[%dma_start3A_237, %dma_start3A_239, %dma_start3A_240] : memref<2x640x32xf32, #tpu.memory_space<vmem>> -> memref<1x640x32xf32, #tpu.memory_space<vmem>>
    %dma_start3A_242 = tpu.memref_squeeze %dma_start3A_241 : memref<1x640x32xf32, #tpu.memory_space<vmem>> -> memref<640x32xf32, #tpu.memory_space<vmem>>
    %dma_start3A_243 = arith.constant 0 : i32
    %dma_start3A_244 = tpu.memref_slice %arg4[%add3A_236, %dma_start3A_243] : memref<204800x128xf32, #tpu.memory_space<hbm>> -> memref<640x32xf32, #tpu.memory_space<hbm>>
    %dma_start3A_245 = tpu.memref_slice %arg9[%dma_start3A_238] : memref<2x!tpu.dma_semaphore, #tpu.memory_space<semaphore_mem>> -> memref<1x!tpu.dma_semaphore, #tpu.memory_space<semaphore_mem>>
    %dma_start3A_246 = tpu.memref_squeeze %dma_start3A_245 : memref<1x!tpu.dma_semaphore, #tpu.memory_space<semaphore_mem>> -> memref<!tpu.dma_semaphore, #tpu.memory_space<semaphore_mem>>
    %dma_start3A_247 = arith.constant 0 : i32
    %dma_start3A_248 = tpu.memref_slice %arg4[%add3A_236, %dma_start3A_247] : memref<204800x128xf32, #tpu.memory_space<hbm>> -> memref<640x32xf32, #tpu.memory_space<hbm>>
    %dma_start3A_249 = arith.constant 0 : i32
    %dma_start3A_250 = arith.constant 0 : i32
    %dma_start3A_251 = tpu.memref_slice %arg6[%dma_start3A_237, %dma_start3A_249, %dma_start3A_250] : memref<2x640x32xf32, #tpu.memory_space<vmem>> -> memref<1x640x32xf32, #tpu.memory_space<vmem>>
    %dma_start3A_252 = tpu.memref_squeeze %dma_start3A_251 : memref<1x640x32xf32, #tpu.memory_space<vmem>> -> memref<640x32xf32, #tpu.memory_space<vmem>>
    tpu.enqueue_dma source(%dma_start3A_252 : memref<640x32xf32, #tpu.memory_space<vmem>>) target(%dma_start3A_248 : memref<640x32xf32, #tpu.memory_space<hbm>>) target_semaphore(%dma_start3A_246 : memref<!tpu.dma_semaphore, #tpu.memory_space<semaphore_mem>>)
    %add3A_253 = arith.constant 2560 : i32
    %add3A_254 = arith.addi %mul3A_2, %add3A_253 : i32
    %dma_start3A_255 = arith.constant 0 : i32
    %dma_start3A_256 = arith.constant 0 : i32
    %dma_start3A_257 = arith.constant 0 : i32
    %dma_start3A_258 = tpu.memref_slice %arg5[%dma_start3A_255, %dma_start3A_257] : memref<2x640xi32, #tpu.memory_space<vmem>> -> memref<1x640xi32, #tpu.memory_space<vmem>>
    %dma_start3A_259 = tpu.memref_squeeze %dma_start3A_258 : memref<1x640xi32, #tpu.memory_space<vmem>> -> memref<640xi32, #tpu.memory_space<vmem>>
    %dma_start3A_260 = tpu.memref_slice %arg2[%add3A_254] : memref<204800xi32, #tpu.memory_space<hbm>> -> memref<640xi32, #tpu.memory_space<hbm>>
    %dma_start3A_261 = tpu.memref_slice %arg7[%dma_start3A_256] : memref<2x!tpu.dma_semaphore, #tpu.memory_space<semaphore_mem>> -> memref<1x!tpu.dma_semaphore, #tpu.memory_space<semaphore_mem>>
    %dma_start3A_262 = tpu.memref_squeeze %dma_start3A_261 : memref<1x!tpu.dma_semaphore, #tpu.memory_space<semaphore_mem>> -> memref<!tpu.dma_semaphore, #tpu.memory_space<semaphore_mem>>
    %dma_start3A_263 = arith.constant 0 : i32
    %dma_start3A_264 = tpu.memref_slice %arg5[%dma_start3A_255, %dma_start3A_263] : memref<2x640xi32, #tpu.memory_space<vmem>> -> memref<1x640xi32, #tpu.memory_space<vmem>>
    %dma_start3A_265 = tpu.memref_squeeze %dma_start3A_264 : memref<1x640xi32, #tpu.memory_space<vmem>> -> memref<640xi32, #tpu.memory_space<vmem>>
    %dma_start3A_266 = tpu.memref_slice %arg2[%add3A_254] : memref<204800xi32, #tpu.memory_space<hbm>> -> memref<640xi32, #tpu.memory_space<hbm>>
    tpu.enqueue_dma source(%dma_start3A_266 : memref<640xi32, #tpu.memory_space<hbm>>) target(%dma_start3A_265 : memref<640xi32, #tpu.memory_space<vmem>>) target_semaphore(%dma_start3A_262 : memref<!tpu.dma_semaphore, #tpu.memory_space<semaphore_mem>>)
    %dma_wait3A_267 = arith.constant 1 : i32
    %dma_wait3A_268 = arith.constant 1 : i32
    %dma_wait3A_269 = arith.constant 0 : i32
    %dma_wait3A_270 = arith.constant 0 : i32
    %dma_wait3A_271 = tpu.memref_slice %arg6[%dma_wait3A_267, %dma_wait3A_269, %dma_wait3A_270] : memref<2x640x32xf32, #tpu.memory_space<vmem>> -> memref<1x640x32xf32, #tpu.memory_space<vmem>>
    %dma_wait3A_272 = tpu.memref_squeeze %dma_wait3A_271 : memref<1x640x32xf32, #tpu.memory_space<vmem>> -> memref<640x32xf32, #tpu.memory_space<vmem>>
    %dma_wait3A_273 = arith.constant 0 : i32
    %dma_wait3A_274 = tpu.memref_slice %arg4[%add3A_146, %dma_wait3A_273] : memref<204800x128xf32, #tpu.memory_space<hbm>> -> memref<640x32xf32, #tpu.memory_space<hbm>>
    %dma_wait3A_275 = tpu.memref_slice %arg9[%dma_wait3A_268] : memref<2x!tpu.dma_semaphore, #tpu.memory_space<semaphore_mem>> -> memref<1x!tpu.dma_semaphore, #tpu.memory_space<semaphore_mem>>
    %dma_wait3A_276 = tpu.memref_squeeze %dma_wait3A_275 : memref<1x!tpu.dma_semaphore, #tpu.memory_space<semaphore_mem>> -> memref<!tpu.dma_semaphore, #tpu.memory_space<semaphore_mem>>
    %dma_wait3A_277 = arith.constant 0 : i32
    %dma_wait3A_278 = tpu.memref_slice %arg4[%add3A_146, %dma_wait3A_277] : memref<204800x128xf32, #tpu.memory_space<hbm>> -> memref<640x32xf32, #tpu.memory_space<hbm>>
    %dma_wait3A_279 = arith.constant 0 : i32
    %dma_wait3A_280 = arith.constant 0 : i32
    %dma_wait3A_281 = tpu.memref_slice %arg6[%dma_wait3A_267, %dma_wait3A_279, %dma_wait3A_280] : memref<2x640x32xf32, #tpu.memory_space<vmem>> -> memref<1x640x32xf32, #tpu.memory_space<vmem>>
    %dma_wait3A_282 = tpu.memref_squeeze %dma_wait3A_281 : memref<1x640x32xf32, #tpu.memory_space<vmem>> -> memref<640x32xf32, #tpu.memory_space<vmem>>
    tpu.wait_dma2 semaphore(%dma_wait3A_276 : memref<!tpu.dma_semaphore, #tpu.memory_space<semaphore_mem>>) src(%dma_wait3A_282 : memref<640x32xf32, #tpu.memory_space<vmem>>) dst(%dma_wait3A_278 : memref<640x32xf32, #tpu.memory_space<hbm>>)
    %dma_wait3A_283 = arith.constant 1 : i32
    %dma_wait3A_284 = arith.constant 1 : i32
    %dma_wait3A_285 = arith.constant 0 : i32
    %dma_wait3A_286 = tpu.memref_slice %arg5[%dma_wait3A_283, %dma_wait3A_285] : memref<2x640xi32, #tpu.memory_space<vmem>> -> memref<1x640xi32, #tpu.memory_space<vmem>>
    %dma_wait3A_287 = tpu.memref_squeeze %dma_wait3A_286 : memref<1x640xi32, #tpu.memory_space<vmem>> -> memref<640xi32, #tpu.memory_space<vmem>>
    %dma_wait3A_288 = tpu.memref_slice %arg2[%add3A_164] : memref<204800xi32, #tpu.memory_space<hbm>> -> memref<640xi32, #tpu.memory_space<hbm>>
    %dma_wait3A_289 = tpu.memref_slice %arg7[%dma_wait3A_284] : memref<2x!tpu.dma_semaphore, #tpu.memory_space<semaphore_mem>> -> memref<1x!tpu.dma_semaphore, #tpu.memory_space<semaphore_mem>>
    %dma_wait3A_290 = tpu.memref_squeeze %dma_wait3A_289 : memref<1x!tpu.dma_semaphore, #tpu.memory_space<semaphore_mem>> -> memref<!tpu.dma_semaphore, #tpu.memory_space<semaphore_mem>>
    %dma_wait3A_291 = arith.constant 0 : i32
    %dma_wait3A_292 = tpu.memref_slice %arg5[%dma_wait3A_283, %dma_wait3A_291] : memref<2x640xi32, #tpu.memory_space<vmem>> -> memref<1x640xi32, #tpu.memory_space<vmem>>
    %dma_wait3A_293 = tpu.memref_squeeze %dma_wait3A_292 : memref<1x640xi32, #tpu.memory_space<vmem>> -> memref<640xi32, #tpu.memory_space<vmem>>
    %dma_wait3A_294 = tpu.memref_slice %arg2[%add3A_164] : memref<204800xi32, #tpu.memory_space<hbm>> -> memref<640xi32, #tpu.memory_space<hbm>>
    tpu.wait_dma2 semaphore(%dma_wait3A_290 : memref<!tpu.dma_semaphore, #tpu.memory_space<semaphore_mem>>) src(%dma_wait3A_294 : memref<640xi32, #tpu.memory_space<hbm>>) dst(%dma_wait3A_293 : memref<640xi32, #tpu.memory_space<vmem>>)
    %dma_start3A_295 = arith.constant 1 : i32
    %dma_start3A_296 = arith.constant 1 : i32
    %dma_start3A_297 = arith.constant 1 : i32
    %dma_start3A_298 = arith.constant 0 : i32
    %dma_start3A_299 = arith.constant 0 : i32
    %dma_start3A_300 = tpu.memref_slice %arg6[%dma_start3A_296, %dma_start3A_298, %dma_start3A_299] : memref<2x640x32xf32, #tpu.memory_space<vmem>> -> memref<1x640x32xf32, #tpu.memory_space<vmem>>
    %dma_start3A_301 = tpu.memref_squeeze %dma_start3A_300 : memref<1x640x32xf32, #tpu.memory_space<vmem>> -> memref<640x32xf32, #tpu.memory_space<vmem>>
    %dma_start3A_302 = arith.constant 0 : i32
    %dma_start3A_303 = tpu.memref_slice %arg5[%dma_start3A_295, %dma_start3A_302] : memref<2x640xi32, #tpu.memory_space<vmem>> -> memref<1x640xi32, #tpu.memory_space<vmem>>
    %dma_start3A_304 = tpu.memref_squeeze %dma_start3A_303 : memref<1x640xi32, #tpu.memory_space<vmem>> -> memref<640xi32, #tpu.memory_space<vmem>>
    %dma_start3A_305 = arith.constant 0 : i32
    %dma_start3A_306 = arith.constant 0 : i32
    %dma_start3A_307 = tpu.memref_slice %arg3[%dma_start3A_305, %dma_start3A_306] : memref<100000x32xf32, #tpu.memory_space<hbm>> -> memref<100000x32xf32, #tpu.memory_space<hbm>>
    %dma_start3A_308 = tpu.memref_slice %arg8[%dma_start3A_297] : memref<2x!tpu.dma_semaphore, #tpu.memory_space<semaphore_mem>> -> memref<1x!tpu.dma_semaphore, #tpu.memory_space<semaphore_mem>>
    %dma_start3A_309 = tpu.memref_squeeze %dma_start3A_308 : memref<1x!tpu.dma_semaphore, #tpu.memory_space<semaphore_mem>> -> memref<!tpu.dma_semaphore, #tpu.memory_space<semaphore_mem>>
    tpu.enqueue_indirect_dma source(%dma_start3A_307 : memref<100000x32xf32, #tpu.memory_space<hbm>>) target(%dma_start3A_301 : memref<640x32xf32, #tpu.memory_space<vmem>>) offsets(%dma_start3A_304 : memref<640xi32, #tpu.memory_space<vmem>>) semaphore(%dma_start3A_309 : memref<!tpu.dma_semaphore, #tpu.memory_space<semaphore_mem>>)
    %dma_wait3A_310 = arith.constant 1 : i32
    %dma_wait3A_311 = arith.constant 1 : i32
    %dma_wait3A_312 = arith.constant 1 : i32
    %dma_wait3A_313 = arith.constant 0 : i32
    %dma_wait3A_314 = arith.constant 0 : i32
    %dma_wait3A_315 = tpu.memref_slice %arg6[%dma_wait3A_311, %dma_wait3A_313, %dma_wait3A_314] : memref<2x640x32xf32, #tpu.memory_space<vmem>> -> memref<1x640x32xf32, #tpu.memory_space<vmem>>
    %dma_wait3A_316 = tpu.memref_squeeze %dma_wait3A_315 : memref<1x640x32xf32, #tpu.memory_space<vmem>> -> memref<640x32xf32, #tpu.memory_space<vmem>>
    %dma_wait3A_317 = arith.constant 0 : i32
    %dma_wait3A_318 = tpu.memref_slice %arg5[%dma_wait3A_310, %dma_wait3A_317] : memref<2x640xi32, #tpu.memory_space<vmem>> -> memref<1x640xi32, #tpu.memory_space<vmem>>
    %dma_wait3A_319 = tpu.memref_squeeze %dma_wait3A_318 : memref<1x640xi32, #tpu.memory_space<vmem>> -> memref<640xi32, #tpu.memory_space<vmem>>
    %dma_wait3A_320 = arith.constant 0 : i32
    %dma_wait3A_321 = arith.constant 0 : i32
    %dma_wait3A_322 = tpu.memref_slice %arg3[%dma_wait3A_320, %dma_wait3A_321] : memref<100000x32xf32, #tpu.memory_space<hbm>> -> memref<100000x32xf32, #tpu.memory_space<hbm>>
    %dma_wait3A_323 = tpu.memref_slice %arg8[%dma_wait3A_312] : memref<2x!tpu.dma_semaphore, #tpu.memory_space<semaphore_mem>> -> memref<1x!tpu.dma_semaphore, #tpu.memory_space<semaphore_mem>>
    %dma_wait3A_324 = tpu.memref_squeeze %dma_wait3A_323 : memref<1x!tpu.dma_semaphore, #tpu.memory_space<semaphore_mem>> -> memref<!tpu.dma_semaphore, #tpu.memory_space<semaphore_mem>>
    tpu.wait_indirect_dma semaphore(%dma_wait3A_324 : memref<!tpu.dma_semaphore, #tpu.memory_space<semaphore_mem>>) src(%dma_wait3A_322 : memref<100000x32xf32, #tpu.memory_space<hbm>>) dst(%dma_wait3A_316 : memref<640x32xf32, #tpu.memory_space<vmem>>)
    %add3A_325 = arith.constant 1920 : i32
    %add3A_326 = arith.addi %mul3A_2, %add3A_325 : i32
    %dma_start3A_327 = arith.constant 1 : i32
    %dma_start3A_328 = arith.constant 1 : i32
    %dma_start3A_329 = arith.constant 0 : i32
    %dma_start3A_330 = arith.constant 0 : i32
    %dma_start3A_331 = tpu.memref_slice %arg6[%dma_start3A_327, %dma_start3A_329, %dma_start3A_330] : memref<2x640x32xf32, #tpu.memory_space<vmem>> -> memref<1x640x32xf32, #tpu.memory_space<vmem>>
    %dma_start3A_332 = tpu.memref_squeeze %dma_start3A_331 : memref<1x640x32xf32, #tpu.memory_space<vmem>> -> memref<640x32xf32, #tpu.memory_space<vmem>>
    %dma_start3A_333 = arith.constant 0 : i32
    %dma_start3A_334 = tpu.memref_slice %arg4[%add3A_326, %dma_start3A_333] : memref<204800x128xf32, #tpu.memory_space<hbm>> -> memref<640x32xf32, #tpu.memory_space<hbm>>
    %dma_start3A_335 = tpu.memref_slice %arg9[%dma_start3A_328] : memref<2x!tpu.dma_semaphore, #tpu.memory_space<semaphore_mem>> -> memref<1x!tpu.dma_semaphore, #tpu.memory_space<semaphore_mem>>
    %dma_start3A_336 = tpu.memref_squeeze %dma_start3A_335 : memref<1x!tpu.dma_semaphore, #tpu.memory_space<semaphore_mem>> -> memref<!tpu.dma_semaphore, #tpu.memory_space<semaphore_mem>>
    %dma_start3A_337 = arith.constant 0 : i32
    %dma_start3A_338 = tpu.memref_slice %arg4[%add3A_326, %dma_start3A_337] : memref<204800x128xf32, #tpu.memory_space<hbm>> -> memref<640x32xf32, #tpu.memory_space<hbm>>
    %dma_start3A_339 = arith.constant 0 : i32
    %dma_start3A_340 = arith.constant 0 : i32
    %dma_start3A_341 = tpu.memref_slice %arg6[%dma_start3A_327, %dma_start3A_339, %dma_start3A_340] : memref<2x640x32xf32, #tpu.memory_space<vmem>> -> memref<1x640x32xf32, #tpu.memory_space<vmem>>
    %dma_start3A_342 = tpu.memref_squeeze %dma_start3A_341 : memref<1x640x32xf32, #tpu.memory_space<vmem>> -> memref<640x32xf32, #tpu.memory_space<vmem>>
    tpu.enqueue_dma source(%dma_start3A_342 : memref<640x32xf32, #tpu.memory_space<vmem>>) target(%dma_start3A_338 : memref<640x32xf32, #tpu.memory_space<hbm>>) target_semaphore(%dma_start3A_336 : memref<!tpu.dma_semaphore, #tpu.memory_space<semaphore_mem>>)
    %add3A_343 = arith.constant 3200 : i32
    %add3A_344 = arith.addi %mul3A_2, %add3A_343 : i32
    %dma_start3A_345 = arith.constant 1 : i32
    %dma_start3A_346 = arith.constant 1 : i32
    %dma_start3A_347 = arith.constant 0 : i32
    %dma_start3A_348 = tpu.memref_slice %arg5[%dma_start3A_345, %dma_start3A_347] : memref<2x640xi32, #tpu.memory_space<vmem>> -> memref<1x640xi32, #tpu.memory_space<vmem>>
    %dma_start3A_349 = tpu.memref_squeeze %dma_start3A_348 : memref<1x640xi32, #tpu.memory_space<vmem>> -> memref<640xi32, #tpu.memory_space<vmem>>
    %dma_start3A_350 = tpu.memref_slice %arg2[%add3A_344] : memref<204800xi32, #tpu.memory_space<hbm>> -> memref<640xi32, #tpu.memory_space<hbm>>
    %dma_start3A_351 = tpu.memref_slice %arg7[%dma_start3A_346] : memref<2x!tpu.dma_semaphore, #tpu.memory_space<semaphore_mem>> -> memref<1x!tpu.dma_semaphore, #tpu.memory_space<semaphore_mem>>
    %dma_start3A_352 = tpu.memref_squeeze %dma_start3A_351 : memref<1x!tpu.dma_semaphore, #tpu.memory_space<semaphore_mem>> -> memref<!tpu.dma_semaphore, #tpu.memory_space<semaphore_mem>>
    %dma_start3A_353 = arith.constant 0 : i32
    %dma_start3A_354 = tpu.memref_slice %arg5[%dma_start3A_345, %dma_start3A_353] : memref<2x640xi32, #tpu.memory_space<vmem>> -> memref<1x640xi32, #tpu.memory_space<vmem>>
    %dma_start3A_355 = tpu.memref_squeeze %dma_start3A_354 : memref<1x640xi32, #tpu.memory_space<vmem>> -> memref<640xi32, #tpu.memory_space<vmem>>
    %dma_start3A_356 = tpu.memref_slice %arg2[%add3A_344] : memref<204800xi32, #tpu.memory_space<hbm>> -> memref<640xi32, #tpu.memory_space<hbm>>
    tpu.enqueue_dma source(%dma_start3A_356 : memref<640xi32, #tpu.memory_space<hbm>>) target(%dma_start3A_355 : memref<640xi32, #tpu.memory_space<vmem>>) target_semaphore(%dma_start3A_352 : memref<!tpu.dma_semaphore, #tpu.memory_space<semaphore_mem>>)
    %dma_wait3A_357 = arith.constant 0 : i32
    %dma_wait3A_358 = arith.constant 0 : i32
    %dma_wait3A_359 = arith.constant 0 : i32
    %dma_wait3A_360 = arith.constant 0 : i32
    %dma_wait3A_361 = tpu.memref_slice %arg6[%dma_wait3A_357, %dma_wait3A_359, %dma_wait3A_360] : memref<2x640x32xf32, #tpu.memory_space<vmem>> -> memref<1x640x32xf32, #tpu.memory_space<vmem>>
    %dma_wait3A_362 = tpu.memref_squeeze %dma_wait3A_361 : memref<1x640x32xf32, #tpu.memory_space<vmem>> -> memref<640x32xf32, #tpu.memory_space<vmem>>
    %dma_wait3A_363 = arith.constant 0 : i32
    %dma_wait3A_364 = tpu.memref_slice %arg4[%add3A_236, %dma_wait3A_363] : memref<204800x128xf32, #tpu.memory_space<hbm>> -> memref<640x32xf32, #tpu.memory_space<hbm>>
    %dma_wait3A_365 = tpu.memref_slice %arg9[%dma_wait3A_358] : memref<2x!tpu.dma_semaphore, #tpu.memory_space<semaphore_mem>> -> memref<1x!tpu.dma_semaphore, #tpu.memory_space<semaphore_mem>>
    %dma_wait3A_366 = tpu.memref_squeeze %dma_wait3A_365 : memref<1x!tpu.dma_semaphore, #tpu.memory_space<semaphore_mem>> -> memref<!tpu.dma_semaphore, #tpu.memory_space<semaphore_mem>>
    %dma_wait3A_367 = arith.constant 0 : i32
    %dma_wait3A_368 = tpu.memref_slice %arg4[%add3A_236, %dma_wait3A_367] : memref<204800x128xf32, #tpu.memory_space<hbm>> -> memref<640x32xf32, #tpu.memory_space<hbm>>
    %dma_wait3A_369 = arith.constant 0 : i32
    %dma_wait3A_370 = arith.constant 0 : i32
    %dma_wait3A_371 = tpu.memref_slice %arg6[%dma_wait3A_357, %dma_wait3A_369, %dma_wait3A_370] : memref<2x640x32xf32, #tpu.memory_space<vmem>> -> memref<1x640x32xf32, #tpu.memory_space<vmem>>
    %dma_wait3A_372 = tpu.memref_squeeze %dma_wait3A_371 : memref<1x640x32xf32, #tpu.memory_space<vmem>> -> memref<640x32xf32, #tpu.memory_space<vmem>>
    tpu.wait_dma2 semaphore(%dma_wait3A_366 : memref<!tpu.dma_semaphore, #tpu.memory_space<semaphore_mem>>) src(%dma_wait3A_372 : memref<640x32xf32, #tpu.memory_space<vmem>>) dst(%dma_wait3A_368 : memref<640x32xf32, #tpu.memory_space<hbm>>)
    %dma_wait3A_373 = arith.constant 0 : i32
    %dma_wait3A_374 = arith.constant 0 : i32
    %dma_wait3A_375 = arith.constant 0 : i32
    %dma_wait3A_376 = tpu.memref_slice %arg5[%dma_wait3A_373, %dma_wait3A_375] : memref<2x640xi32, #tpu.memory_space<vmem>> -> memref<1x640xi32, #tpu.memory_space<vmem>>
    %dma_wait3A_377 = tpu.memref_squeeze %dma_wait3A_376 : memref<1x640xi32, #tpu.memory_space<vmem>> -> memref<640xi32, #tpu.memory_space<vmem>>
    %dma_wait3A_378 = tpu.memref_slice %arg2[%add3A_254] : memref<204800xi32, #tpu.memory_space<hbm>> -> memref<640xi32, #tpu.memory_space<hbm>>
    %dma_wait3A_379 = tpu.memref_slice %arg7[%dma_wait3A_374] : memref<2x!tpu.dma_semaphore, #tpu.memory_space<semaphore_mem>> -> memref<1x!tpu.dma_semaphore, #tpu.memory_space<semaphore_mem>>
    %dma_wait3A_380 = tpu.memref_squeeze %dma_wait3A_379 : memref<1x!tpu.dma_semaphore, #tpu.memory_space<semaphore_mem>> -> memref<!tpu.dma_semaphore, #tpu.memory_space<semaphore_mem>>
    %dma_wait3A_381 = arith.constant 0 : i32
    %dma_wait3A_382 = tpu.memref_slice %arg5[%dma_wait3A_373, %dma_wait3A_381] : memref<2x640xi32, #tpu.memory_space<vmem>> -> memref<1x640xi32, #tpu.memory_space<vmem>>
    %dma_wait3A_383 = tpu.memref_squeeze %dma_wait3A_382 : memref<1x640xi32, #tpu.memory_space<vmem>> -> memref<640xi32, #tpu.memory_space<vmem>>
    %dma_wait3A_384 = tpu.memref_slice %arg2[%add3A_254] : memref<204800xi32, #tpu.memory_space<hbm>> -> memref<640xi32, #tpu.memory_space<hbm>>
    tpu.wait_dma2 semaphore(%dma_wait3A_380 : memref<!tpu.dma_semaphore, #tpu.memory_space<semaphore_mem>>) src(%dma_wait3A_384 : memref<640xi32, #tpu.memory_space<hbm>>) dst(%dma_wait3A_383 : memref<640xi32, #tpu.memory_space<vmem>>)
    %dma_start3A_385 = arith.constant 0 : i32
    %dma_start3A_386 = arith.constant 0 : i32
    %dma_start3A_387 = arith.constant 0 : i32
    %dma_start3A_388 = arith.constant 0 : i32
    %dma_start3A_389 = arith.constant 0 : i32
    %dma_start3A_390 = tpu.memref_slice %arg6[%dma_start3A_386, %dma_start3A_388, %dma_start3A_389] : memref<2x640x32xf32, #tpu.memory_space<vmem>> -> memref<1x640x32xf32, #tpu.memory_space<vmem>>
    %dma_start3A_391 = tpu.memref_squeeze %dma_start3A_390 : memref<1x640x32xf32, #tpu.memory_space<vmem>> -> memref<640x32xf32, #tpu.memory_space<vmem>>
    %dma_start3A_392 = arith.constant 0 : i32
    %dma_start3A_393 = tpu.memref_slice %arg5[%dma_start3A_385, %dma_start3A_392] : memref<2x640xi32, #tpu.memory_space<vmem>> -> memref<1x640xi32, #tpu.memory_space<vmem>>
    %dma_start3A_394 = tpu.memref_squeeze %dma_start3A_393 : memref<1x640xi32, #tpu.memory_space<vmem>> -> memref<640xi32, #tpu.memory_space<vmem>>
    %dma_start3A_395 = arith.constant 0 : i32
    %dma_start3A_396 = arith.constant 0 : i32
    %dma_start3A_397 = tpu.memref_slice %arg3[%dma_start3A_395, %dma_start3A_396] : memref<100000x32xf32, #tpu.memory_space<hbm>> -> memref<100000x32xf32, #tpu.memory_space<hbm>>
    %dma_start3A_398 = tpu.memref_slice %arg8[%dma_start3A_387] : memref<2x!tpu.dma_semaphore, #tpu.memory_space<semaphore_mem>> -> memref<1x!tpu.dma_semaphore, #tpu.memory_space<semaphore_mem>>
    %dma_start3A_399 = tpu.memref_squeeze %dma_start3A_398 : memref<1x!tpu.dma_semaphore, #tpu.memory_space<semaphore_mem>> -> memref<!tpu.dma_semaphore, #tpu.memory_space<semaphore_mem>>
    tpu.enqueue_indirect_dma source(%dma_start3A_397 : memref<100000x32xf32, #tpu.memory_space<hbm>>) target(%dma_start3A_391 : memref<640x32xf32, #tpu.memory_space<vmem>>) offsets(%dma_start3A_394 : memref<640xi32, #tpu.memory_space<vmem>>) semaphore(%dma_start3A_399 : memref<!tpu.dma_semaphore, #tpu.memory_space<semaphore_mem>>)
    %dma_wait3A_400 = arith.constant 0 : i32
    %dma_wait3A_401 = arith.constant 0 : i32
    %dma_wait3A_402 = arith.constant 0 : i32
    %dma_wait3A_403 = arith.constant 0 : i32
    %dma_wait3A_404 = arith.constant 0 : i32
    %dma_wait3A_405 = tpu.memref_slice %arg6[%dma_wait3A_401, %dma_wait3A_403, %dma_wait3A_404] : memref<2x640x32xf32, #tpu.memory_space<vmem>> -> memref<1x640x32xf32, #tpu.memory_space<vmem>>
    %dma_wait3A_406 = tpu.memref_squeeze %dma_wait3A_405 : memref<1x640x32xf32, #tpu.memory_space<vmem>> -> memref<640x32xf32, #tpu.memory_space<vmem>>
    %dma_wait3A_407 = arith.constant 0 : i32
    %dma_wait3A_408 = tpu.memref_slice %arg5[%dma_wait3A_400, %dma_wait3A_407] : memref<2x640xi32, #tpu.memory_space<vmem>> -> memref<1x640xi32, #tpu.memory_space<vmem>>
    %dma_wait3A_409 = tpu.memref_squeeze %dma_wait3A_408 : memref<1x640xi32, #tpu.memory_space<vmem>> -> memref<640xi32, #tpu.memory_space<vmem>>
    %dma_wait3A_410 = arith.constant 0 : i32
    %dma_wait3A_411 = arith.constant 0 : i32
    %dma_wait3A_412 = tpu.memref_slice %arg3[%dma_wait3A_410, %dma_wait3A_411] : memref<100000x32xf32, #tpu.memory_space<hbm>> -> memref<100000x32xf32, #tpu.memory_space<hbm>>
    %dma_wait3A_413 = tpu.memref_slice %arg8[%dma_wait3A_402] : memref<2x!tpu.dma_semaphore, #tpu.memory_space<semaphore_mem>> -> memref<1x!tpu.dma_semaphore, #tpu.memory_space<semaphore_mem>>
    %dma_wait3A_414 = tpu.memref_squeeze %dma_wait3A_413 : memref<1x!tpu.dma_semaphore, #tpu.memory_space<semaphore_mem>> -> memref<!tpu.dma_semaphore, #tpu.memory_space<semaphore_mem>>
    tpu.wait_indirect_dma semaphore(%dma_wait3A_414 : memref<!tpu.dma_semaphore, #tpu.memory_space<semaphore_mem>>) src(%dma_wait3A_412 : memref<100000x32xf32, #tpu.memory_space<hbm>>) dst(%dma_wait3A_406 : memref<640x32xf32, #tpu.memory_space<vmem>>)
    %add3A_415 = arith.constant 2560 : i32
    %add3A_416 = arith.addi %mul3A_2, %add3A_415 : i32
    %dma_start3A_417 = arith.constant 0 : i32
    %dma_start3A_418 = arith.constant 0 : i32
    %dma_start3A_419 = arith.constant 0 : i32
    %dma_start3A_420 = arith.constant 0 : i32
    %dma_start3A_421 = tpu.memref_slice %arg6[%dma_start3A_417, %dma_start3A_419, %dma_start3A_420] : memref<2x640x32xf32, #tpu.memory_space<vmem>> -> memref<1x640x32xf32, #tpu.memory_space<vmem>>
    %dma_start3A_422 = tpu.memref_squeeze %dma_start3A_421 : memref<1x640x32xf32, #tpu.memory_space<vmem>> -> memref<640x32xf32, #tpu.memory_space<vmem>>
    %dma_start3A_423 = arith.constant 0 : i32
    %dma_start3A_424 = tpu.memref_slice %arg4[%add3A_416, %dma_start3A_423] : memref<204800x128xf32, #tpu.memory_space<hbm>> -> memref<640x32xf32, #tpu.memory_space<hbm>>
    %dma_start3A_425 = tpu.memref_slice %arg9[%dma_start3A_418] : memref<2x!tpu.dma_semaphore, #tpu.memory_space<semaphore_mem>> -> memref<1x!tpu.dma_semaphore, #tpu.memory_space<semaphore_mem>>
    %dma_start3A_426 = tpu.memref_squeeze %dma_start3A_425 : memref<1x!tpu.dma_semaphore, #tpu.memory_space<semaphore_mem>> -> memref<!tpu.dma_semaphore, #tpu.memory_space<semaphore_mem>>
    %dma_start3A_427 = arith.constant 0 : i32
    %dma_start3A_428 = tpu.memref_slice %arg4[%add3A_416, %dma_start3A_427] : memref<204800x128xf32, #tpu.memory_space<hbm>> -> memref<640x32xf32, #tpu.memory_space<hbm>>
    %dma_start3A_429 = arith.constant 0 : i32
    %dma_start3A_430 = arith.constant 0 : i32
    %dma_start3A_431 = tpu.memref_slice %arg6[%dma_start3A_417, %dma_start3A_429, %dma_start3A_430] : memref<2x640x32xf32, #tpu.memory_space<vmem>> -> memref<1x640x32xf32, #tpu.memory_space<vmem>>
    %dma_start3A_432 = tpu.memref_squeeze %dma_start3A_431 : memref<1x640x32xf32, #tpu.memory_space<vmem>> -> memref<640x32xf32, #tpu.memory_space<vmem>>
    tpu.enqueue_dma source(%dma_start3A_432 : memref<640x32xf32, #tpu.memory_space<vmem>>) target(%dma_start3A_428 : memref<640x32xf32, #tpu.memory_space<hbm>>) target_semaphore(%dma_start3A_426 : memref<!tpu.dma_semaphore, #tpu.memory_space<semaphore_mem>>)
    %add3A_433 = arith.constant 3840 : i32
    %add3A_434 = arith.addi %mul3A_2, %add3A_433 : i32
    %dma_start3A_435 = arith.constant 0 : i32
    %dma_start3A_436 = arith.constant 0 : i32
    %dma_start3A_437 = arith.constant 0 : i32
    %dma_start3A_438 = tpu.memref_slice %arg5[%dma_start3A_435, %dma_start3A_437] : memref<2x640xi32, #tpu.memory_space<vmem>> -> memref<1x640xi32, #tpu.memory_space<vmem>>
    %dma_start3A_439 = tpu.memref_squeeze %dma_start3A_438 : memref<1x640xi32, #tpu.memory_space<vmem>> -> memref<640xi32, #tpu.memory_space<vmem>>
    %dma_start3A_440 = tpu.memref_slice %arg2[%add3A_434] : memref<204800xi32, #tpu.memory_space<hbm>> -> memref<640xi32, #tpu.memory_space<hbm>>
    %dma_start3A_441 = tpu.memref_slice %arg7[%dma_start3A_436] : memref<2x!tpu.dma_semaphore, #tpu.memory_space<semaphore_mem>> -> memref<1x!tpu.dma_semaphore, #tpu.memory_space<semaphore_mem>>
    %dma_start3A_442 = tpu.memref_squeeze %dma_start3A_441 : memref<1x!tpu.dma_semaphore, #tpu.memory_space<semaphore_mem>> -> memref<!tpu.dma_semaphore, #tpu.memory_space<semaphore_mem>>
    %dma_start3A_443 = arith.constant 0 : i32
    %dma_start3A_444 = tpu.memref_slice %arg5[%dma_start3A_435, %dma_start3A_443] : memref<2x640xi32, #tpu.memory_space<vmem>> -> memref<1x640xi32, #tpu.memory_space<vmem>>
    %dma_start3A_445 = tpu.memref_squeeze %dma_start3A_444 : memref<1x640xi32, #tpu.memory_space<vmem>> -> memref<640xi32, #tpu.memory_space<vmem>>
    %dma_start3A_446 = tpu.memref_slice %arg2[%add3A_434] : memref<204800xi32, #tpu.memory_space<hbm>> -> memref<640xi32, #tpu.memory_space<hbm>>
    tpu.enqueue_dma source(%dma_start3A_446 : memref<640xi32, #tpu.memory_space<hbm>>) target(%dma_start3A_445 : memref<640xi32, #tpu.memory_space<vmem>>) target_semaphore(%dma_start3A_442 : memref<!tpu.dma_semaphore, #tpu.memory_space<semaphore_mem>>)
    %dma_wait3A_447 = arith.constant 1 : i32
    %dma_wait3A_448 = arith.constant 1 : i32
    %dma_wait3A_449 = arith.constant 0 : i32
    %dma_wait3A_450 = arith.constant 0 : i32
    %dma_wait3A_451 = tpu.memref_slice %arg6[%dma_wait3A_447, %dma_wait3A_449, %dma_wait3A_450] : memref<2x640x32xf32, #tpu.memory_space<vmem>> -> memref<1x640x32xf32, #tpu.memory_space<vmem>>
    %dma_wait3A_452 = tpu.memref_squeeze %dma_wait3A_451 : memref<1x640x32xf32, #tpu.memory_space<vmem>> -> memref<640x32xf32, #tpu.memory_space<vmem>>
    %dma_wait3A_453 = arith.constant 0 : i32
    %dma_wait3A_454 = tpu.memref_slice %arg4[%add3A_326, %dma_wait3A_453] : memref<204800x128xf32, #tpu.memory_space<hbm>> -> memref<640x32xf32, #tpu.memory_space<hbm>>
    %dma_wait3A_455 = tpu.memref_slice %arg9[%dma_wait3A_448] : memref<2x!tpu.dma_semaphore, #tpu.memory_space<semaphore_mem>> -> memref<1x!tpu.dma_semaphore, #tpu.memory_space<semaphore_mem>>
    %dma_wait3A_456 = tpu.memref_squeeze %dma_wait3A_455 : memref<1x!tpu.dma_semaphore, #tpu.memory_space<semaphore_mem>> -> memref<!tpu.dma_semaphore, #tpu.memory_space<semaphore_mem>>
    %dma_wait3A_457 = arith.constant 0 : i32
    %dma_wait3A_458 = tpu.memref_slice %arg4[%add3A_326, %dma_wait3A_457] : memref<204800x128xf32, #tpu.memory_space<hbm>> -> memref<640x32xf32, #tpu.memory_space<hbm>>
    %dma_wait3A_459 = arith.constant 0 : i32
    %dma_wait3A_460 = arith.constant 0 : i32
    %dma_wait3A_461 = tpu.memref_slice %arg6[%dma_wait3A_447, %dma_wait3A_459, %dma_wait3A_460] : memref<2x640x32xf32, #tpu.memory_space<vmem>> -> memref<1x640x32xf32, #tpu.memory_space<vmem>>
    %dma_wait3A_462 = tpu.memref_squeeze %dma_wait3A_461 : memref<1x640x32xf32, #tpu.memory_space<vmem>> -> memref<640x32xf32, #tpu.memory_space<vmem>>
    tpu.wait_dma2 semaphore(%dma_wait3A_456 : memref<!tpu.dma_semaphore, #tpu.memory_space<semaphore_mem>>) src(%dma_wait3A_462 : memref<640x32xf32, #tpu.memory_space<vmem>>) dst(%dma_wait3A_458 : memref<640x32xf32, #tpu.memory_space<hbm>>)
    %dma_wait3A_463 = arith.constant 1 : i32
    %dma_wait3A_464 = arith.constant 1 : i32
    %dma_wait3A_465 = arith.constant 0 : i32
    %dma_wait3A_466 = tpu.memref_slice %arg5[%dma_wait3A_463, %dma_wait3A_465] : memref<2x640xi32, #tpu.memory_space<vmem>> -> memref<1x640xi32, #tpu.memory_space<vmem>>
    %dma_wait3A_467 = tpu.memref_squeeze %dma_wait3A_466 : memref<1x640xi32, #tpu.memory_space<vmem>> -> memref<640xi32, #tpu.memory_space<vmem>>
    %dma_wait3A_468 = tpu.memref_slice %arg2[%add3A_344] : memref<204800xi32, #tpu.memory_space<hbm>> -> memref<640xi32, #tpu.memory_space<hbm>>
    %dma_wait3A_469 = tpu.memref_slice %arg7[%dma_wait3A_464] : memref<2x!tpu.dma_semaphore, #tpu.memory_space<semaphore_mem>> -> memref<1x!tpu.dma_semaphore, #tpu.memory_space<semaphore_mem>>
    %dma_wait3A_470 = tpu.memref_squeeze %dma_wait3A_469 : memref<1x!tpu.dma_semaphore, #tpu.memory_space<semaphore_mem>> -> memref<!tpu.dma_semaphore, #tpu.memory_space<semaphore_mem>>
    %dma_wait3A_471 = arith.constant 0 : i32
    %dma_wait3A_472 = tpu.memref_slice %arg5[%dma_wait3A_463, %dma_wait3A_471] : memref<2x640xi32, #tpu.memory_space<vmem>> -> memref<1x640xi32, #tpu.memory_space<vmem>>
    %dma_wait3A_473 = tpu.memref_squeeze %dma_wait3A_472 : memref<1x640xi32, #tpu.memory_space<vmem>> -> memref<640xi32, #tpu.memory_space<vmem>>
    %dma_wait3A_474 = tpu.memref_slice %arg2[%add3A_344] : memref<204800xi32, #tpu.memory_space<hbm>> -> memref<640xi32, #tpu.memory_space<hbm>>
    tpu.wait_dma2 semaphore(%dma_wait3A_470 : memref<!tpu.dma_semaphore, #tpu.memory_space<semaphore_mem>>) src(%dma_wait3A_474 : memref<640xi32, #tpu.memory_space<hbm>>) dst(%dma_wait3A_473 : memref<640xi32, #tpu.memory_space<vmem>>)
    %dma_start3A_475 = arith.constant 1 : i32
    %dma_start3A_476 = arith.constant 1 : i32
    %dma_start3A_477 = arith.constant 1 : i32
    %dma_start3A_478 = arith.constant 0 : i32
    %dma_start3A_479 = arith.constant 0 : i32
    %dma_start3A_480 = tpu.memref_slice %arg6[%dma_start3A_476, %dma_start3A_478, %dma_start3A_479] : memref<2x640x32xf32, #tpu.memory_space<vmem>> -> memref<1x640x32xf32, #tpu.memory_space<vmem>>
    %dma_start3A_481 = tpu.memref_squeeze %dma_start3A_480 : memref<1x640x32xf32, #tpu.memory_space<vmem>> -> memref<640x32xf32, #tpu.memory_space<vmem>>
    %dma_start3A_482 = arith.constant 0 : i32
    %dma_start3A_483 = tpu.memref_slice %arg5[%dma_start3A_475, %dma_start3A_482] : memref<2x640xi32, #tpu.memory_space<vmem>> -> memref<1x640xi32, #tpu.memory_space<vmem>>
    %dma_start3A_484 = tpu.memref_squeeze %dma_start3A_483 : memref<1x640xi32, #tpu.memory_space<vmem>> -> memref<640xi32, #tpu.memory_space<vmem>>
    %dma_start3A_485 = arith.constant 0 : i32
    %dma_start3A_486 = arith.constant 0 : i32
    %dma_start3A_487 = tpu.memref_slice %arg3[%dma_start3A_485, %dma_start3A_486] : memref<100000x32xf32, #tpu.memory_space<hbm>> -> memref<100000x32xf32, #tpu.memory_space<hbm>>
    %dma_start3A_488 = tpu.memref_slice %arg8[%dma_start3A_477] : memref<2x!tpu.dma_semaphore, #tpu.memory_space<semaphore_mem>> -> memref<1x!tpu.dma_semaphore, #tpu.memory_space<semaphore_mem>>
    %dma_start3A_489 = tpu.memref_squeeze %dma_start3A_488 : memref<1x!tpu.dma_semaphore, #tpu.memory_space<semaphore_mem>> -> memref<!tpu.dma_semaphore, #tpu.memory_space<semaphore_mem>>
    tpu.enqueue_indirect_dma source(%dma_start3A_487 : memref<100000x32xf32, #tpu.memory_space<hbm>>) target(%dma_start3A_481 : memref<640x32xf32, #tpu.memory_space<vmem>>) offsets(%dma_start3A_484 : memref<640xi32, #tpu.memory_space<vmem>>) semaphore(%dma_start3A_489 : memref<!tpu.dma_semaphore, #tpu.memory_space<semaphore_mem>>)
    %dma_wait3A_490 = arith.constant 1 : i32
    %dma_wait3A_491 = arith.constant 1 : i32
    %dma_wait3A_492 = arith.constant 1 : i32
    %dma_wait3A_493 = arith.constant 0 : i32
    %dma_wait3A_494 = arith.constant 0 : i32
    %dma_wait3A_495 = tpu.memref_slice %arg6[%dma_wait3A_491, %dma_wait3A_493, %dma_wait3A_494] : memref<2x640x32xf32, #tpu.memory_space<vmem>> -> memref<1x640x32xf32, #tpu.memory_space<vmem>>
    %dma_wait3A_496 = tpu.memref_squeeze %dma_wait3A_495 : memref<1x640x32xf32, #tpu.memory_space<vmem>> -> memref<640x32xf32, #tpu.memory_space<vmem>>
    %dma_wait3A_497 = arith.constant 0 : i32
    %dma_wait3A_498 = tpu.memref_slice %arg5[%dma_wait3A_490, %dma_wait3A_497] : memref<2x640xi32, #tpu.memory_space<vmem>> -> memref<1x640xi32, #tpu.memory_space<vmem>>
    %dma_wait3A_499 = tpu.memref_squeeze %dma_wait3A_498 : memref<1x640xi32, #tpu.memory_space<vmem>> -> memref<640xi32, #tpu.memory_space<vmem>>
    %dma_wait3A_500 = arith.constant 0 : i32
    %dma_wait3A_501 = arith.constant 0 : i32
    %dma_wait3A_502 = tpu.memref_slice %arg3[%dma_wait3A_500, %dma_wait3A_501] : memref<100000x32xf32, #tpu.memory_space<hbm>> -> memref<100000x32xf32, #tpu.memory_space<hbm>>
    %dma_wait3A_503 = tpu.memref_slice %arg8[%dma_wait3A_492] : memref<2x!tpu.dma_semaphore, #tpu.memory_space<semaphore_mem>> -> memref<1x!tpu.dma_semaphore, #tpu.memory_space<semaphore_mem>>
    %dma_wait3A_504 = tpu.memref_squeeze %dma_wait3A_503 : memref<1x!tpu.dma_semaphore, #tpu.memory_space<semaphore_mem>> -> memref<!tpu.dma_semaphore, #tpu.memory_space<semaphore_mem>>
    tpu.wait_indirect_dma semaphore(%dma_wait3A_504 : memref<!tpu.dma_semaphore, #tpu.memory_space<semaphore_mem>>) src(%dma_wait3A_502 : memref<100000x32xf32, #tpu.memory_space<hbm>>) dst(%dma_wait3A_496 : memref<640x32xf32, #tpu.memory_space<vmem>>)
    %add3A_505 = arith.constant 3200 : i32
    %add3A_506 = arith.addi %mul3A_2, %add3A_505 : i32
    %dma_start3A_507 = arith.constant 1 : i32
    %dma_start3A_508 = arith.constant 1 : i32
    %dma_start3A_509 = arith.constant 0 : i32
    %dma_start3A_510 = arith.constant 0 : i32
    %dma_start3A_511 = tpu.memref_slice %arg6[%dma_start3A_507, %dma_start3A_509, %dma_start3A_510] : memref<2x640x32xf32, #tpu.memory_space<vmem>> -> memref<1x640x32xf32, #tpu.memory_space<vmem>>
    %dma_start3A_512 = tpu.memref_squeeze %dma_start3A_511 : memref<1x640x32xf32, #tpu.memory_space<vmem>> -> memref<640x32xf32, #tpu.memory_space<vmem>>
    %dma_start3A_513 = arith.constant 0 : i32
    %dma_start3A_514 = tpu.memref_slice %arg4[%add3A_506, %dma_start3A_513] : memref<204800x128xf32, #tpu.memory_space<hbm>> -> memref<640x32xf32, #tpu.memory_space<hbm>>
    %dma_start3A_515 = tpu.memref_slice %arg9[%dma_start3A_508] : memref<2x!tpu.dma_semaphore, #tpu.memory_space<semaphore_mem>> -> memref<1x!tpu.dma_semaphore, #tpu.memory_space<semaphore_mem>>
    %dma_start3A_516 = tpu.memref_squeeze %dma_start3A_515 : memref<1x!tpu.dma_semaphore, #tpu.memory_space<semaphore_mem>> -> memref<!tpu.dma_semaphore, #tpu.memory_space<semaphore_mem>>
    %dma_start3A_517 = arith.constant 0 : i32
    %dma_start3A_518 = tpu.memref_slice %arg4[%add3A_506, %dma_start3A_517] : memref<204800x128xf32, #tpu.memory_space<hbm>> -> memref<640x32xf32, #tpu.memory_space<hbm>>
    %dma_start3A_519 = arith.constant 0 : i32
    %dma_start3A_520 = arith.constant 0 : i32
    %dma_start3A_521 = tpu.memref_slice %arg6[%dma_start3A_507, %dma_start3A_519, %dma_start3A_520] : memref<2x640x32xf32, #tpu.memory_space<vmem>> -> memref<1x640x32xf32, #tpu.memory_space<vmem>>
    %dma_start3A_522 = tpu.memref_squeeze %dma_start3A_521 : memref<1x640x32xf32, #tpu.memory_space<vmem>> -> memref<640x32xf32, #tpu.memory_space<vmem>>
    tpu.enqueue_dma source(%dma_start3A_522 : memref<640x32xf32, #tpu.memory_space<vmem>>) target(%dma_start3A_518 : memref<640x32xf32, #tpu.memory_space<hbm>>) target_semaphore(%dma_start3A_516 : memref<!tpu.dma_semaphore, #tpu.memory_space<semaphore_mem>>)
    %add3A_523 = arith.constant 4480 : i32
    %add3A_524 = arith.addi %mul3A_2, %add3A_523 : i32
    %dma_start3A_525 = arith.constant 1 : i32
    %dma_start3A_526 = arith.constant 1 : i32
    %dma_start3A_527 = arith.constant 0 : i32
    %dma_start3A_528 = tpu.memref_slice %arg5[%dma_start3A_525, %dma_start3A_527] : memref<2x640xi32, #tpu.memory_space<vmem>> -> memref<1x640xi32, #tpu.memory_space<vmem>>
    %dma_start3A_529 = tpu.memref_squeeze %dma_start3A_528 : memref<1x640xi32, #tpu.memory_space<vmem>> -> memref<640xi32, #tpu.memory_space<vmem>>
    %dma_start3A_530 = tpu.memref_slice %arg2[%add3A_524] : memref<204800xi32, #tpu.memory_space<hbm>> -> memref<640xi32, #tpu.memory_space<hbm>>
    %dma_start3A_531 = tpu.memref_slice %arg7[%dma_start3A_526] : memref<2x!tpu.dma_semaphore, #tpu.memory_space<semaphore_mem>> -> memref<1x!tpu.dma_semaphore, #tpu.memory_space<semaphore_mem>>
    %dma_start3A_532 = tpu.memref_squeeze %dma_start3A_531 : memref<1x!tpu.dma_semaphore, #tpu.memory_space<semaphore_mem>> -> memref<!tpu.dma_semaphore, #tpu.memory_space<semaphore_mem>>
    %dma_start3A_533 = arith.constant 0 : i32
    %dma_start3A_534 = tpu.memref_slice %arg5[%dma_start3A_525, %dma_start3A_533] : memref<2x640xi32, #tpu.memory_space<vmem>> -> memref<1x640xi32, #tpu.memory_space<vmem>>
    %dma_start3A_535 = tpu.memref_squeeze %dma_start3A_534 : memref<1x640xi32, #tpu.memory_space<vmem>> -> memref<640xi32, #tpu.memory_space<vmem>>
    %dma_start3A_536 = tpu.memref_slice %arg2[%add3A_524] : memref<204800xi32, #tpu.memory_space<hbm>> -> memref<640xi32, #tpu.memory_space<hbm>>
    tpu.enqueue_dma source(%dma_start3A_536 : memref<640xi32, #tpu.memory_space<hbm>>) target(%dma_start3A_535 : memref<640xi32, #tpu.memory_space<vmem>>) target_semaphore(%dma_start3A_532 : memref<!tpu.dma_semaphore, #tpu.memory_space<semaphore_mem>>)
    %dma_wait3A_537 = arith.constant 0 : i32
    %dma_wait3A_538 = arith.constant 0 : i32
    %dma_wait3A_539 = arith.constant 0 : i32
    %dma_wait3A_540 = arith.constant 0 : i32
    %dma_wait3A_541 = tpu.memref_slice %arg6[%dma_wait3A_537, %dma_wait3A_539, %dma_wait3A_540] : memref<2x640x32xf32, #tpu.memory_space<vmem>> -> memref<1x640x32xf32, #tpu.memory_space<vmem>>
    %dma_wait3A_542 = tpu.memref_squeeze %dma_wait3A_541 : memref<1x640x32xf32, #tpu.memory_space<vmem>> -> memref<640x32xf32, #tpu.memory_space<vmem>>
    %dma_wait3A_543 = arith.constant 0 : i32
    %dma_wait3A_544 = tpu.memref_slice %arg4[%add3A_416, %dma_wait3A_543] : memref<204800x128xf32, #tpu.memory_space<hbm>> -> memref<640x32xf32, #tpu.memory_space<hbm>>
    %dma_wait3A_545 = tpu.memref_slice %arg9[%dma_wait3A_538] : memref<2x!tpu.dma_semaphore, #tpu.memory_space<semaphore_mem>> -> memref<1x!tpu.dma_semaphore, #tpu.memory_space<semaphore_mem>>
    %dma_wait3A_546 = tpu.memref_squeeze %dma_wait3A_545 : memref<1x!tpu.dma_semaphore, #tpu.memory_space<semaphore_mem>> -> memref<!tpu.dma_semaphore, #tpu.memory_space<semaphore_mem>>
    %dma_wait3A_547 = arith.constant 0 : i32
    %dma_wait3A_548 = tpu.memref_slice %arg4[%add3A_416, %dma_wait3A_547] : memref<204800x128xf32, #tpu.memory_space<hbm>> -> memref<640x32xf32, #tpu.memory_space<hbm>>
    %dma_wait3A_549 = arith.constant 0 : i32
    %dma_wait3A_550 = arith.constant 0 : i32
    %dma_wait3A_551 = tpu.memref_slice %arg6[%dma_wait3A_537, %dma_wait3A_549, %dma_wait3A_550] : memref<2x640x32xf32, #tpu.memory_space<vmem>> -> memref<1x640x32xf32, #tpu.memory_space<vmem>>
    %dma_wait3A_552 = tpu.memref_squeeze %dma_wait3A_551 : memref<1x640x32xf32, #tpu.memory_space<vmem>> -> memref<640x32xf32, #tpu.memory_space<vmem>>
    tpu.wait_dma2 semaphore(%dma_wait3A_546 : memref<!tpu.dma_semaphore, #tpu.memory_space<semaphore_mem>>) src(%dma_wait3A_552 : memref<640x32xf32, #tpu.memory_space<vmem>>) dst(%dma_wait3A_548 : memref<640x32xf32, #tpu.memory_space<hbm>>)
    %dma_wait3A_553 = arith.constant 0 : i32
    %dma_wait3A_554 = arith.constant 0 : i32
    %dma_wait3A_555 = arith.constant 0 : i32
    %dma_wait3A_556 = tpu.memref_slice %arg5[%dma_wait3A_553, %dma_wait3A_555] : memref<2x640xi32, #tpu.memory_space<vmem>> -> memref<1x640xi32, #tpu.memory_space<vmem>>
    %dma_wait3A_557 = tpu.memref_squeeze %dma_wait3A_556 : memref<1x640xi32, #tpu.memory_space<vmem>> -> memref<640xi32, #tpu.memory_space<vmem>>
    %dma_wait3A_558 = tpu.memref_slice %arg2[%add3A_434] : memref<204800xi32, #tpu.memory_space<hbm>> -> memref<640xi32, #tpu.memory_space<hbm>>
    %dma_wait3A_559 = tpu.memref_slice %arg7[%dma_wait3A_554] : memref<2x!tpu.dma_semaphore, #tpu.memory_space<semaphore_mem>> -> memref<1x!tpu.dma_semaphore, #tpu.memory_space<semaphore_mem>>
    %dma_wait3A_560 = tpu.memref_squeeze %dma_wait3A_559 : memref<1x!tpu.dma_semaphore, #tpu.memory_space<semaphore_mem>> -> memref<!tpu.dma_semaphore, #tpu.memory_space<semaphore_mem>>
    %dma_wait3A_561 = arith.constant 0 : i32
    %dma_wait3A_562 = tpu.memref_slice %arg5[%dma_wait3A_553, %dma_wait3A_561] : memref<2x640xi32, #tpu.memory_space<vmem>> -> memref<1x640xi32, #tpu.memory_space<vmem>>
    %dma_wait3A_563 = tpu.memref_squeeze %dma_wait3A_562 : memref<1x640xi32, #tpu.memory_space<vmem>> -> memref<640xi32, #tpu.memory_space<vmem>>
    %dma_wait3A_564 = tpu.memref_slice %arg2[%add3A_434] : memref<204800xi32, #tpu.memory_space<hbm>> -> memref<640xi32, #tpu.memory_space<hbm>>
    tpu.wait_dma2 semaphore(%dma_wait3A_560 : memref<!tpu.dma_semaphore, #tpu.memory_space<semaphore_mem>>) src(%dma_wait3A_564 : memref<640xi32, #tpu.memory_space<hbm>>) dst(%dma_wait3A_563 : memref<640xi32, #tpu.memory_space<vmem>>)
    %dma_start3A_565 = arith.constant 0 : i32
    %dma_start3A_566 = arith.constant 0 : i32
    %dma_start3A_567 = arith.constant 0 : i32
    %dma_start3A_568 = arith.constant 0 : i32
    %dma_start3A_569 = arith.constant 0 : i32
    %dma_start3A_570 = tpu.memref_slice %arg6[%dma_start3A_566, %dma_start3A_568, %dma_start3A_569] : memref<2x640x32xf32, #tpu.memory_space<vmem>> -> memref<1x640x32xf32, #tpu.memory_space<vmem>>
    %dma_start3A_571 = tpu.memref_squeeze %dma_start3A_570 : memref<1x640x32xf32, #tpu.memory_space<vmem>> -> memref<640x32xf32, #tpu.memory_space<vmem>>
    %dma_start3A_572 = arith.constant 0 : i32
    %dma_start3A_573 = tpu.memref_slice %arg5[%dma_start3A_565, %dma_start3A_572] : memref<2x640xi32, #tpu.memory_space<vmem>> -> memref<1x640xi32, #tpu.memory_space<vmem>>
    %dma_start3A_574 = tpu.memref_squeeze %dma_start3A_573 : memref<1x640xi32, #tpu.memory_space<vmem>> -> memref<640xi32, #tpu.memory_space<vmem>>
    %dma_start3A_575 = arith.constant 0 : i32
    %dma_start3A_576 = arith.constant 0 : i32
    %dma_start3A_577 = tpu.memref_slice %arg3[%dma_start3A_575, %dma_start3A_576] : memref<100000x32xf32, #tpu.memory_space<hbm>> -> memref<100000x32xf32, #tpu.memory_space<hbm>>
    %dma_start3A_578 = tpu.memref_slice %arg8[%dma_start3A_567] : memref<2x!tpu.dma_semaphore, #tpu.memory_space<semaphore_mem>> -> memref<1x!tpu.dma_semaphore, #tpu.memory_space<semaphore_mem>>
    %dma_start3A_579 = tpu.memref_squeeze %dma_start3A_578 : memref<1x!tpu.dma_semaphore, #tpu.memory_space<semaphore_mem>> -> memref<!tpu.dma_semaphore, #tpu.memory_space<semaphore_mem>>
    tpu.enqueue_indirect_dma source(%dma_start3A_577 : memref<100000x32xf32, #tpu.memory_space<hbm>>) target(%dma_start3A_571 : memref<640x32xf32, #tpu.memory_space<vmem>>) offsets(%dma_start3A_574 : memref<640xi32, #tpu.memory_space<vmem>>) semaphore(%dma_start3A_579 : memref<!tpu.dma_semaphore, #tpu.memory_space<semaphore_mem>>)
    %dma_wait3A_580 = arith.constant 0 : i32
    %dma_wait3A_581 = arith.constant 0 : i32
    %dma_wait3A_582 = arith.constant 0 : i32
    %dma_wait3A_583 = arith.constant 0 : i32
    %dma_wait3A_584 = arith.constant 0 : i32
    %dma_wait3A_585 = tpu.memref_slice %arg6[%dma_wait3A_581, %dma_wait3A_583, %dma_wait3A_584] : memref<2x640x32xf32, #tpu.memory_space<vmem>> -> memref<1x640x32xf32, #tpu.memory_space<vmem>>
    %dma_wait3A_586 = tpu.memref_squeeze %dma_wait3A_585 : memref<1x640x32xf32, #tpu.memory_space<vmem>> -> memref<640x32xf32, #tpu.memory_space<vmem>>
    %dma_wait3A_587 = arith.constant 0 : i32
    %dma_wait3A_588 = tpu.memref_slice %arg5[%dma_wait3A_580, %dma_wait3A_587] : memref<2x640xi32, #tpu.memory_space<vmem>> -> memref<1x640xi32, #tpu.memory_space<vmem>>
    %dma_wait3A_589 = tpu.memref_squeeze %dma_wait3A_588 : memref<1x640xi32, #tpu.memory_space<vmem>> -> memref<640xi32, #tpu.memory_space<vmem>>
    %dma_wait3A_590 = arith.constant 0 : i32
    %dma_wait3A_591 = arith.constant 0 : i32
    %dma_wait3A_592 = tpu.memref_slice %arg3[%dma_wait3A_590, %dma_wait3A_591] : memref<100000x32xf32, #tpu.memory_space<hbm>> -> memref<100000x32xf32, #tpu.memory_space<hbm>>
    %dma_wait3A_593 = tpu.memref_slice %arg8[%dma_wait3A_582] : memref<2x!tpu.dma_semaphore, #tpu.memory_space<semaphore_mem>> -> memref<1x!tpu.dma_semaphore, #tpu.memory_space<semaphore_mem>>
    %dma_wait3A_594 = tpu.memref_squeeze %dma_wait3A_593 : memref<1x!tpu.dma_semaphore, #tpu.memory_space<semaphore_mem>> -> memref<!tpu.dma_semaphore, #tpu.memory_space<semaphore_mem>>
    tpu.wait_indirect_dma semaphore(%dma_wait3A_594 : memref<!tpu.dma_semaphore, #tpu.memory_space<semaphore_mem>>) src(%dma_wait3A_592 : memref<100000x32xf32, #tpu.memory_space<hbm>>) dst(%dma_wait3A_586 : memref<640x32xf32, #tpu.memory_space<vmem>>)
    %add3A_595 = arith.constant 3840 : i32
    %add3A_596 = arith.addi %mul3A_2, %add3A_595 : i32
    %dma_start3A_597 = arith.constant 0 : i32
    %dma_start3A_598 = arith.constant 0 : i32
    %dma_start3A_599 = arith.constant 0 : i32
    %dma_start3A_600 = arith.constant 0 : i32
    %dma_start3A_601 = tpu.memref_slice %arg6[%dma_start3A_597, %dma_start3A_599, %dma_start3A_600] : memref<2x640x32xf32, #tpu.memory_space<vmem>> -> memref<1x640x32xf32, #tpu.memory_space<vmem>>
    %dma_start3A_602 = tpu.memref_squeeze %dma_start3A_601 : memref<1x640x32xf32, #tpu.memory_space<vmem>> -> memref<640x32xf32, #tpu.memory_space<vmem>>
    %dma_start3A_603 = arith.constant 0 : i32
    %dma_start3A_604 = tpu.memref_slice %arg4[%add3A_596, %dma_start3A_603] : memref<204800x128xf32, #tpu.memory_space<hbm>> -> memref<640x32xf32, #tpu.memory_space<hbm>>
    %dma_start3A_605 = tpu.memref_slice %arg9[%dma_start3A_598] : memref<2x!tpu.dma_semaphore, #tpu.memory_space<semaphore_mem>> -> memref<1x!tpu.dma_semaphore, #tpu.memory_space<semaphore_mem>>
    %dma_start3A_606 = tpu.memref_squeeze %dma_start3A_605 : memref<1x!tpu.dma_semaphore, #tpu.memory_space<semaphore_mem>> -> memref<!tpu.dma_semaphore, #tpu.memory_space<semaphore_mem>>
    %dma_start3A_607 = arith.constant 0 : i32
    %dma_start3A_608 = tpu.memref_slice %arg4[%add3A_596, %dma_start3A_607] : memref<204800x128xf32, #tpu.memory_space<hbm>> -> memref<640x32xf32, #tpu.memory_space<hbm>>
    %dma_start3A_609 = arith.constant 0 : i32
    %dma_start3A_610 = arith.constant 0 : i32
    %dma_start3A_611 = tpu.memref_slice %arg6[%dma_start3A_597, %dma_start3A_609, %dma_start3A_610] : memref<2x640x32xf32, #tpu.memory_space<vmem>> -> memref<1x640x32xf32, #tpu.memory_space<vmem>>
    %dma_start3A_612 = tpu.memref_squeeze %dma_start3A_611 : memref<1x640x32xf32, #tpu.memory_space<vmem>> -> memref<640x32xf32, #tpu.memory_space<vmem>>
    tpu.enqueue_dma source(%dma_start3A_612 : memref<640x32xf32, #tpu.memory_space<vmem>>) target(%dma_start3A_608 : memref<640x32xf32, #tpu.memory_space<hbm>>) target_semaphore(%dma_start3A_606 : memref<!tpu.dma_semaphore, #tpu.memory_space<semaphore_mem>>)
    %add3A_613 = arith.constant 5120 : i32
    %add3A_614 = arith.addi %mul3A_2, %add3A_613 : i32
    %dma_start3A_615 = arith.constant 0 : i32
    %dma_start3A_616 = arith.constant 0 : i32
    %dma_start3A_617 = arith.constant 0 : i32
    %dma_start3A_618 = tpu.memref_slice %arg5[%dma_start3A_615, %dma_start3A_617] : memref<2x640xi32, #tpu.memory_space<vmem>> -> memref<1x640xi32, #tpu.memory_space<vmem>>
    %dma_start3A_619 = tpu.memref_squeeze %dma_start3A_618 : memref<1x640xi32, #tpu.memory_space<vmem>> -> memref<640xi32, #tpu.memory_space<vmem>>
    %dma_start3A_620 = tpu.memref_slice %arg2[%add3A_614] : memref<204800xi32, #tpu.memory_space<hbm>> -> memref<640xi32, #tpu.memory_space<hbm>>
    %dma_start3A_621 = tpu.memref_slice %arg7[%dma_start3A_616] : memref<2x!tpu.dma_semaphore, #tpu.memory_space<semaphore_mem>> -> memref<1x!tpu.dma_semaphore, #tpu.memory_space<semaphore_mem>>
    %dma_start3A_622 = tpu.memref_squeeze %dma_start3A_621 : memref<1x!tpu.dma_semaphore, #tpu.memory_space<semaphore_mem>> -> memref<!tpu.dma_semaphore, #tpu.memory_space<semaphore_mem>>
    %dma_start3A_623 = arith.constant 0 : i32
    %dma_start3A_624 = tpu.memref_slice %arg5[%dma_start3A_615, %dma_start3A_623] : memref<2x640xi32, #tpu.memory_space<vmem>> -> memref<1x640xi32, #tpu.memory_space<vmem>>
    %dma_start3A_625 = tpu.memref_squeeze %dma_start3A_624 : memref<1x640xi32, #tpu.memory_space<vmem>> -> memref<640xi32, #tpu.memory_space<vmem>>
    %dma_start3A_626 = tpu.memref_slice %arg2[%add3A_614] : memref<204800xi32, #tpu.memory_space<hbm>> -> memref<640xi32, #tpu.memory_space<hbm>>
    tpu.enqueue_dma source(%dma_start3A_626 : memref<640xi32, #tpu.memory_space<hbm>>) target(%dma_start3A_625 : memref<640xi32, #tpu.memory_space<vmem>>) target_semaphore(%dma_start3A_622 : memref<!tpu.dma_semaphore, #tpu.memory_space<semaphore_mem>>)
    %dma_wait3A_627 = arith.constant 1 : i32
    %dma_wait3A_628 = arith.constant 1 : i32
    %dma_wait3A_629 = arith.constant 0 : i32
    %dma_wait3A_630 = arith.constant 0 : i32
    %dma_wait3A_631 = tpu.memref_slice %arg6[%dma_wait3A_627, %dma_wait3A_629, %dma_wait3A_630] : memref<2x640x32xf32, #tpu.memory_space<vmem>> -> memref<1x640x32xf32, #tpu.memory_space<vmem>>
    %dma_wait3A_632 = tpu.memref_squeeze %dma_wait3A_631 : memref<1x640x32xf32, #tpu.memory_space<vmem>> -> memref<640x32xf32, #tpu.memory_space<vmem>>
    %dma_wait3A_633 = arith.constant 0 : i32
    %dma_wait3A_634 = tpu.memref_slice %arg4[%add3A_506, %dma_wait3A_633] : memref<204800x128xf32, #tpu.memory_space<hbm>> -> memref<640x32xf32, #tpu.memory_space<hbm>>
    %dma_wait3A_635 = tpu.memref_slice %arg9[%dma_wait3A_628] : memref<2x!tpu.dma_semaphore, #tpu.memory_space<semaphore_mem>> -> memref<1x!tpu.dma_semaphore, #tpu.memory_space<semaphore_mem>>
    %dma_wait3A_636 = tpu.memref_squeeze %dma_wait3A_635 : memref<1x!tpu.dma_semaphore, #tpu.memory_space<semaphore_mem>> -> memref<!tpu.dma_semaphore, #tpu.memory_space<semaphore_mem>>
    %dma_wait3A_637 = arith.constant 0 : i32
    %dma_wait3A_638 = tpu.memref_slice %arg4[%add3A_506, %dma_wait3A_637] : memref<204800x128xf32, #tpu.memory_space<hbm>> -> memref<640x32xf32, #tpu.memory_space<hbm>>
    %dma_wait3A_639 = arith.constant 0 : i32
    %dma_wait3A_640 = arith.constant 0 : i32
    %dma_wait3A_641 = tpu.memref_slice %arg6[%dma_wait3A_627, %dma_wait3A_639, %dma_wait3A_640] : memref<2x640x32xf32, #tpu.memory_space<vmem>> -> memref<1x640x32xf32, #tpu.memory_space<vmem>>
    %dma_wait3A_642 = tpu.memref_squeeze %dma_wait3A_641 : memref<1x640x32xf32, #tpu.memory_space<vmem>> -> memref<640x32xf32, #tpu.memory_space<vmem>>
    tpu.wait_dma2 semaphore(%dma_wait3A_636 : memref<!tpu.dma_semaphore, #tpu.memory_space<semaphore_mem>>) src(%dma_wait3A_642 : memref<640x32xf32, #tpu.memory_space<vmem>>) dst(%dma_wait3A_638 : memref<640x32xf32, #tpu.memory_space<hbm>>)
    %dma_wait3A_643 = arith.constant 1 : i32
    %dma_wait3A_644 = arith.constant 1 : i32
    %dma_wait3A_645 = arith.constant 0 : i32
    %dma_wait3A_646 = tpu.memref_slice %arg5[%dma_wait3A_643, %dma_wait3A_645] : memref<2x640xi32, #tpu.memory_space<vmem>> -> memref<1x640xi32, #tpu.memory_space<vmem>>
    %dma_wait3A_647 = tpu.memref_squeeze %dma_wait3A_646 : memref<1x640xi32, #tpu.memory_space<vmem>> -> memref<640xi32, #tpu.memory_space<vmem>>
    %dma_wait3A_648 = tpu.memref_slice %arg2[%add3A_524] : memref<204800xi32, #tpu.memory_space<hbm>> -> memref<640xi32, #tpu.memory_space<hbm>>
    %dma_wait3A_649 = tpu.memref_slice %arg7[%dma_wait3A_644] : memref<2x!tpu.dma_semaphore, #tpu.memory_space<semaphore_mem>> -> memref<1x!tpu.dma_semaphore, #tpu.memory_space<semaphore_mem>>
    %dma_wait3A_650 = tpu.memref_squeeze %dma_wait3A_649 : memref<1x!tpu.dma_semaphore, #tpu.memory_space<semaphore_mem>> -> memref<!tpu.dma_semaphore, #tpu.memory_space<semaphore_mem>>
    %dma_wait3A_651 = arith.constant 0 : i32
    %dma_wait3A_652 = tpu.memref_slice %arg5[%dma_wait3A_643, %dma_wait3A_651] : memref<2x640xi32, #tpu.memory_space<vmem>> -> memref<1x640xi32, #tpu.memory_space<vmem>>
    %dma_wait3A_653 = tpu.memref_squeeze %dma_wait3A_652 : memref<1x640xi32, #tpu.memory_space<vmem>> -> memref<640xi32, #tpu.memory_space<vmem>>
    %dma_wait3A_654 = tpu.memref_slice %arg2[%add3A_524] : memref<204800xi32, #tpu.memory_space<hbm>> -> memref<640xi32, #tpu.memory_space<hbm>>
    tpu.wait_dma2 semaphore(%dma_wait3A_650 : memref<!tpu.dma_semaphore, #tpu.memory_space<semaphore_mem>>) src(%dma_wait3A_654 : memref<640xi32, #tpu.memory_space<hbm>>) dst(%dma_wait3A_653 : memref<640xi32, #tpu.memory_space<vmem>>)
    %dma_start3A_655 = arith.constant 1 : i32
    %dma_start3A_656 = arith.constant 1 : i32
    %dma_start3A_657 = arith.constant 1 : i32
    %dma_start3A_658 = arith.constant 0 : i32
    %dma_start3A_659 = arith.constant 0 : i32
    %dma_start3A_660 = tpu.memref_slice %arg6[%dma_start3A_656, %dma_start3A_658, %dma_start3A_659] : memref<2x640x32xf32, #tpu.memory_space<vmem>> -> memref<1x640x32xf32, #tpu.memory_space<vmem>>
    %dma_start3A_661 = tpu.memref_squeeze %dma_start3A_660 : memref<1x640x32xf32, #tpu.memory_space<vmem>> -> memref<640x32xf32, #tpu.memory_space<vmem>>
    %dma_start3A_662 = arith.constant 0 : i32
    %dma_start3A_663 = tpu.memref_slice %arg5[%dma_start3A_655, %dma_start3A_662] : memref<2x640xi32, #tpu.memory_space<vmem>> -> memref<1x640xi32, #tpu.memory_space<vmem>>
    %dma_start3A_664 = tpu.memref_squeeze %dma_start3A_663 : memref<1x640xi32, #tpu.memory_space<vmem>> -> memref<640xi32, #tpu.memory_space<vmem>>
    %dma_start3A_665 = arith.constant 0 : i32
    %dma_start3A_666 = arith.constant 0 : i32
    %dma_start3A_667 = tpu.memref_slice %arg3[%dma_start3A_665, %dma_start3A_666] : memref<100000x32xf32, #tpu.memory_space<hbm>> -> memref<100000x32xf32, #tpu.memory_space<hbm>>
    %dma_start3A_668 = tpu.memref_slice %arg8[%dma_start3A_657] : memref<2x!tpu.dma_semaphore, #tpu.memory_space<semaphore_mem>> -> memref<1x!tpu.dma_semaphore, #tpu.memory_space<semaphore_mem>>
    %dma_start3A_669 = tpu.memref_squeeze %dma_start3A_668 : memref<1x!tpu.dma_semaphore, #tpu.memory_space<semaphore_mem>> -> memref<!tpu.dma_semaphore, #tpu.memory_space<semaphore_mem>>
    tpu.enqueue_indirect_dma source(%dma_start3A_667 : memref<100000x32xf32, #tpu.memory_space<hbm>>) target(%dma_start3A_661 : memref<640x32xf32, #tpu.memory_space<vmem>>) offsets(%dma_start3A_664 : memref<640xi32, #tpu.memory_space<vmem>>) semaphore(%dma_start3A_669 : memref<!tpu.dma_semaphore, #tpu.memory_space<semaphore_mem>>)
    %dma_wait3A_670 = arith.constant 1 : i32
    %dma_wait3A_671 = arith.constant 1 : i32
    %dma_wait3A_672 = arith.constant 1 : i32
    %dma_wait3A_673 = arith.constant 0 : i32
    %dma_wait3A_674 = arith.constant 0 : i32
    %dma_wait3A_675 = tpu.memref_slice %arg6[%dma_wait3A_671, %dma_wait3A_673, %dma_wait3A_674] : memref<2x640x32xf32, #tpu.memory_space<vmem>> -> memref<1x640x32xf32, #tpu.memory_space<vmem>>
    %dma_wait3A_676 = tpu.memref_squeeze %dma_wait3A_675 : memref<1x640x32xf32, #tpu.memory_space<vmem>> -> memref<640x32xf32, #tpu.memory_space<vmem>>
    %dma_wait3A_677 = arith.constant 0 : i32
    %dma_wait3A_678 = tpu.memref_slice %arg5[%dma_wait3A_670, %dma_wait3A_677] : memref<2x640xi32, #tpu.memory_space<vmem>> -> memref<1x640xi32, #tpu.memory_space<vmem>>
    %dma_wait3A_679 = tpu.memref_squeeze %dma_wait3A_678 : memref<1x640xi32, #tpu.memory_space<vmem>> -> memref<640xi32, #tpu.memory_space<vmem>>
    %dma_wait3A_680 = arith.constant 0 : i32
    %dma_wait3A_681 = arith.constant 0 : i32
    %dma_wait3A_682 = tpu.memref_slice %arg3[%dma_wait3A_680, %dma_wait3A_681] : memref<100000x32xf32, #tpu.memory_space<hbm>> -> memref<100000x32xf32, #tpu.memory_space<hbm>>
    %dma_wait3A_683 = tpu.memref_slice %arg8[%dma_wait3A_672] : memref<2x!tpu.dma_semaphore, #tpu.memory_space<semaphore_mem>> -> memref<1x!tpu.dma_semaphore, #tpu.memory_space<semaphore_mem>>
    %dma_wait3A_684 = tpu.memref_squeeze %dma_wait3A_683 : memref<1x!tpu.dma_semaphore, #tpu.memory_space<semaphore_mem>> -> memref<!tpu.dma_semaphore, #tpu.memory_space<semaphore_mem>>
    tpu.wait_indirect_dma semaphore(%dma_wait3A_684 : memref<!tpu.dma_semaphore, #tpu.memory_space<semaphore_mem>>) src(%dma_wait3A_682 : memref<100000x32xf32, #tpu.memory_space<hbm>>) dst(%dma_wait3A_676 : memref<640x32xf32, #tpu.memory_space<vmem>>)
    %add3A_685 = arith.constant 4480 : i32
    %add3A_686 = arith.addi %mul3A_2, %add3A_685 : i32
    %dma_start3A_687 = arith.constant 1 : i32
    %dma_start3A_688 = arith.constant 1 : i32
    %dma_start3A_689 = arith.constant 0 : i32
    %dma_start3A_690 = arith.constant 0 : i32
    %dma_start3A_691 = tpu.memref_slice %arg6[%dma_start3A_687, %dma_start3A_689, %dma_start3A_690] : memref<2x640x32xf32, #tpu.memory_space<vmem>> -> memref<1x640x32xf32, #tpu.memory_space<vmem>>
    %dma_start3A_692 = tpu.memref_squeeze %dma_start3A_691 : memref<1x640x32xf32, #tpu.memory_space<vmem>> -> memref<640x32xf32, #tpu.memory_space<vmem>>
    %dma_start3A_693 = arith.constant 0 : i32
    %dma_start3A_694 = tpu.memref_slice %arg4[%add3A_686, %dma_start3A_693] : memref<204800x128xf32, #tpu.memory_space<hbm>> -> memref<640x32xf32, #tpu.memory_space<hbm>>
    %dma_start3A_695 = tpu.memref_slice %arg9[%dma_start3A_688] : memref<2x!tpu.dma_semaphore, #tpu.memory_space<semaphore_mem>> -> memref<1x!tpu.dma_semaphore, #tpu.memory_space<semaphore_mem>>
    %dma_start3A_696 = tpu.memref_squeeze %dma_start3A_695 : memref<1x!tpu.dma_semaphore, #tpu.memory_space<semaphore_mem>> -> memref<!tpu.dma_semaphore, #tpu.memory_space<semaphore_mem>>
    %dma_start3A_697 = arith.constant 0 : i32
    %dma_start3A_698 = tpu.memref_slice %arg4[%add3A_686, %dma_start3A_697] : memref<204800x128xf32, #tpu.memory_space<hbm>> -> memref<640x32xf32, #tpu.memory_space<hbm>>
    %dma_start3A_699 = arith.constant 0 : i32
    %dma_start3A_700 = arith.constant 0 : i32
    %dma_start3A_701 = tpu.memref_slice %arg6[%dma_start3A_687, %dma_start3A_699, %dma_start3A_700] : memref<2x640x32xf32, #tpu.memory_space<vmem>> -> memref<1x640x32xf32, #tpu.memory_space<vmem>>
    %dma_start3A_702 = tpu.memref_squeeze %dma_start3A_701 : memref<1x640x32xf32, #tpu.memory_space<vmem>> -> memref<640x32xf32, #tpu.memory_space<vmem>>
    tpu.enqueue_dma source(%dma_start3A_702 : memref<640x32xf32, #tpu.memory_space<vmem>>) target(%dma_start3A_698 : memref<640x32xf32, #tpu.memory_space<hbm>>) target_semaphore(%dma_start3A_696 : memref<!tpu.dma_semaphore, #tpu.memory_space<semaphore_mem>>)
    %add3A_703 = arith.constant 5760 : i32
    %add3A_704 = arith.addi %mul3A_2, %add3A_703 : i32
    %dma_start3A_705 = arith.constant 1 : i32
    %dma_start3A_706 = arith.constant 1 : i32
    %dma_start3A_707 = arith.constant 0 : i32
    %dma_start3A_708 = tpu.memref_slice %arg5[%dma_start3A_705, %dma_start3A_707] : memref<2x640xi32, #tpu.memory_space<vmem>> -> memref<1x640xi32, #tpu.memory_space<vmem>>
    %dma_start3A_709 = tpu.memref_squeeze %dma_start3A_708 : memref<1x640xi32, #tpu.memory_space<vmem>> -> memref<640xi32, #tpu.memory_space<vmem>>
    %dma_start3A_710 = tpu.memref_slice %arg2[%add3A_704] : memref<204800xi32, #tpu.memory_space<hbm>> -> memref<640xi32, #tpu.memory_space<hbm>>
    %dma_start3A_711 = tpu.memref_slice %arg7[%dma_start3A_706] : memref<2x!tpu.dma_semaphore, #tpu.memory_space<semaphore_mem>> -> memref<1x!tpu.dma_semaphore, #tpu.memory_space<semaphore_mem>>
    %dma_start3A_712 = tpu.memref_squeeze %dma_start3A_711 : memref<1x!tpu.dma_semaphore, #tpu.memory_space<semaphore_mem>> -> memref<!tpu.dma_semaphore, #tpu.memory_space<semaphore_mem>>
    %dma_start3A_713 = arith.constant 0 : i32
    %dma_start3A_714 = tpu.memref_slice %arg5[%dma_start3A_705, %dma_start3A_713] : memref<2x640xi32, #tpu.memory_space<vmem>> -> memref<1x640xi32, #tpu.memory_space<vmem>>
    %dma_start3A_715 = tpu.memref_squeeze %dma_start3A_714 : memref<1x640xi32, #tpu.memory_space<vmem>> -> memref<640xi32, #tpu.memory_space<vmem>>
    %dma_start3A_716 = tpu.memref_slice %arg2[%add3A_704] : memref<204800xi32, #tpu.memory_space<hbm>> -> memref<640xi32, #tpu.memory_space<hbm>>
    tpu.enqueue_dma source(%dma_start3A_716 : memref<640xi32, #tpu.memory_space<hbm>>) target(%dma_start3A_715 : memref<640xi32, #tpu.memory_space<vmem>>) target_semaphore(%dma_start3A_712 : memref<!tpu.dma_semaphore, #tpu.memory_space<semaphore_mem>>)
    %dma_wait3A_717 = arith.constant 0 : i32
    %dma_wait3A_718 = arith.constant 0 : i32
    %dma_wait3A_719 = arith.constant 0 : i32
    %dma_wait3A_720 = arith.constant 0 : i32
    %dma_wait3A_721 = tpu.memref_slice %arg6[%dma_wait3A_717, %dma_wait3A_719, %dma_wait3A_720] : memref<2x640x32xf32, #tpu.memory_space<vmem>> -> memref<1x640x32xf32, #tpu.memory_space<vmem>>
    %dma_wait3A_722 = tpu.memref_squeeze %dma_wait3A_721 : memref<1x640x32xf32, #tpu.memory_space<vmem>> -> memref<640x32xf32, #tpu.memory_space<vmem>>
    %dma_wait3A_723 = arith.constant 0 : i32
    %dma_wait3A_724 = tpu.memref_slice %arg4[%add3A_596, %dma_wait3A_723] : memref<204800x128xf32, #tpu.memory_space<hbm>> -> memref<640x32xf32, #tpu.memory_space<hbm>>
    %dma_wait3A_725 = tpu.memref_slice %arg9[%dma_wait3A_718] : memref<2x!tpu.dma_semaphore, #tpu.memory_space<semaphore_mem>> -> memref<1x!tpu.dma_semaphore, #tpu.memory_space<semaphore_mem>>
    %dma_wait3A_726 = tpu.memref_squeeze %dma_wait3A_725 : memref<1x!tpu.dma_semaphore, #tpu.memory_space<semaphore_mem>> -> memref<!tpu.dma_semaphore, #tpu.memory_space<semaphore_mem>>
    %dma_wait3A_727 = arith.constant 0 : i32
    %dma_wait3A_728 = tpu.memref_slice %arg4[%add3A_596, %dma_wait3A_727] : memref<204800x128xf32, #tpu.memory_space<hbm>> -> memref<640x32xf32, #tpu.memory_space<hbm>>
    %dma_wait3A_729 = arith.constant 0 : i32
    %dma_wait3A_730 = arith.constant 0 : i32
    %dma_wait3A_731 = tpu.memref_slice %arg6[%dma_wait3A_717, %dma_wait3A_729, %dma_wait3A_730] : memref<2x640x32xf32, #tpu.memory_space<vmem>> -> memref<1x640x32xf32, #tpu.memory_space<vmem>>
    %dma_wait3A_732 = tpu.memref_squeeze %dma_wait3A_731 : memref<1x640x32xf32, #tpu.memory_space<vmem>> -> memref<640x32xf32, #tpu.memory_space<vmem>>
    tpu.wait_dma2 semaphore(%dma_wait3A_726 : memref<!tpu.dma_semaphore, #tpu.memory_space<semaphore_mem>>) src(%dma_wait3A_732 : memref<640x32xf32, #tpu.memory_space<vmem>>) dst(%dma_wait3A_728 : memref<640x32xf32, #tpu.memory_space<hbm>>)
    %dma_wait3A_733 = arith.constant 0 : i32
    %dma_wait3A_734 = arith.constant 0 : i32
    %dma_wait3A_735 = arith.constant 0 : i32
    %dma_wait3A_736 = tpu.memref_slice %arg5[%dma_wait3A_733, %dma_wait3A_735] : memref<2x640xi32, #tpu.memory_space<vmem>> -> memref<1x640xi32, #tpu.memory_space<vmem>>
    %dma_wait3A_737 = tpu.memref_squeeze %dma_wait3A_736 : memref<1x640xi32, #tpu.memory_space<vmem>> -> memref<640xi32, #tpu.memory_space<vmem>>
    %dma_wait3A_738 = tpu.memref_slice %arg2[%add3A_614] : memref<204800xi32, #tpu.memory_space<hbm>> -> memref<640xi32, #tpu.memory_space<hbm>>
    %dma_wait3A_739 = tpu.memref_slice %arg7[%dma_wait3A_734] : memref<2x!tpu.dma_semaphore, #tpu.memory_space<semaphore_mem>> -> memref<1x!tpu.dma_semaphore, #tpu.memory_space<semaphore_mem>>
    %dma_wait3A_740 = tpu.memref_squeeze %dma_wait3A_739 : memref<1x!tpu.dma_semaphore, #tpu.memory_space<semaphore_mem>> -> memref<!tpu.dma_semaphore, #tpu.memory_space<semaphore_mem>>
    %dma_wait3A_741 = arith.constant 0 : i32
    %dma_wait3A_742 = tpu.memref_slice %arg5[%dma_wait3A_733, %dma_wait3A_741] : memref<2x640xi32, #tpu.memory_space<vmem>> -> memref<1x640xi32, #tpu.memory_space<vmem>>
    %dma_wait3A_743 = tpu.memref_squeeze %dma_wait3A_742 : memref<1x640xi32, #tpu.memory_space<vmem>> -> memref<640xi32, #tpu.memory_space<vmem>>
    %dma_wait3A_744 = tpu.memref_slice %arg2[%add3A_614] : memref<204800xi32, #tpu.memory_space<hbm>> -> memref<640xi32, #tpu.memory_space<hbm>>
    tpu.wait_dma2 semaphore(%dma_wait3A_740 : memref<!tpu.dma_semaphore, #tpu.memory_space<semaphore_mem>>) src(%dma_wait3A_744 : memref<640xi32, #tpu.memory_space<hbm>>) dst(%dma_wait3A_743 : memref<640xi32, #tpu.memory_space<vmem>>)
    %dma_start3A_745 = arith.constant 0 : i32
    %dma_start3A_746 = arith.constant 0 : i32
    %dma_start3A_747 = arith.constant 0 : i32
    %dma_start3A_748 = arith.constant 0 : i32
    %dma_start3A_749 = arith.constant 0 : i32
    %dma_start3A_750 = tpu.memref_slice %arg6[%dma_start3A_746, %dma_start3A_748, %dma_start3A_749] : memref<2x640x32xf32, #tpu.memory_space<vmem>> -> memref<1x640x32xf32, #tpu.memory_space<vmem>>
    %dma_start3A_751 = tpu.memref_squeeze %dma_start3A_750 : memref<1x640x32xf32, #tpu.memory_space<vmem>> -> memref<640x32xf32, #tpu.memory_space<vmem>>
    %dma_start3A_752 = arith.constant 0 : i32
    %dma_start3A_753 = tpu.memref_slice %arg5[%dma_start3A_745, %dma_start3A_752] : memref<2x640xi32, #tpu.memory_space<vmem>> -> memref<1x640xi32, #tpu.memory_space<vmem>>
    %dma_start3A_754 = tpu.memref_squeeze %dma_start3A_753 : memref<1x640xi32, #tpu.memory_space<vmem>> -> memref<640xi32, #tpu.memory_space<vmem>>
    %dma_start3A_755 = arith.constant 0 : i32
    %dma_start3A_756 = arith.constant 0 : i32
    %dma_start3A_757 = tpu.memref_slice %arg3[%dma_start3A_755, %dma_start3A_756] : memref<100000x32xf32, #tpu.memory_space<hbm>> -> memref<100000x32xf32, #tpu.memory_space<hbm>>
    %dma_start3A_758 = tpu.memref_slice %arg8[%dma_start3A_747] : memref<2x!tpu.dma_semaphore, #tpu.memory_space<semaphore_mem>> -> memref<1x!tpu.dma_semaphore, #tpu.memory_space<semaphore_mem>>
    %dma_start3A_759 = tpu.memref_squeeze %dma_start3A_758 : memref<1x!tpu.dma_semaphore, #tpu.memory_space<semaphore_mem>> -> memref<!tpu.dma_semaphore, #tpu.memory_space<semaphore_mem>>
    tpu.enqueue_indirect_dma source(%dma_start3A_757 : memref<100000x32xf32, #tpu.memory_space<hbm>>) target(%dma_start3A_751 : memref<640x32xf32, #tpu.memory_space<vmem>>) offsets(%dma_start3A_754 : memref<640xi32, #tpu.memory_space<vmem>>) semaphore(%dma_start3A_759 : memref<!tpu.dma_semaphore, #tpu.memory_space<semaphore_mem>>)
    %dma_wait3A_760 = arith.constant 0 : i32
    %dma_wait3A_761 = arith.constant 0 : i32
    %dma_wait3A_762 = arith.constant 0 : i32
    %dma_wait3A_763 = arith.constant 0 : i32
    %dma_wait3A_764 = arith.constant 0 : i32
    %dma_wait3A_765 = tpu.memref_slice %arg6[%dma_wait3A_761, %dma_wait3A_763, %dma_wait3A_764] : memref<2x640x32xf32, #tpu.memory_space<vmem>> -> memref<1x640x32xf32, #tpu.memory_space<vmem>>
    %dma_wait3A_766 = tpu.memref_squeeze %dma_wait3A_765 : memref<1x640x32xf32, #tpu.memory_space<vmem>> -> memref<640x32xf32, #tpu.memory_space<vmem>>
    %dma_wait3A_767 = arith.constant 0 : i32
    %dma_wait3A_768 = tpu.memref_slice %arg5[%dma_wait3A_760, %dma_wait3A_767] : memref<2x640xi32, #tpu.memory_space<vmem>> -> memref<1x640xi32, #tpu.memory_space<vmem>>
    %dma_wait3A_769 = tpu.memref_squeeze %dma_wait3A_768 : memref<1x640xi32, #tpu.memory_space<vmem>> -> memref<640xi32, #tpu.memory_space<vmem>>
    %dma_wait3A_770 = arith.constant 0 : i32
    %dma_wait3A_771 = arith.constant 0 : i32
    %dma_wait3A_772 = tpu.memref_slice %arg3[%dma_wait3A_770, %dma_wait3A_771] : memref<100000x32xf32, #tpu.memory_space<hbm>> -> memref<100000x32xf32, #tpu.memory_space<hbm>>
    %dma_wait3A_773 = tpu.memref_slice %arg8[%dma_wait3A_762] : memref<2x!tpu.dma_semaphore, #tpu.memory_space<semaphore_mem>> -> memref<1x!tpu.dma_semaphore, #tpu.memory_space<semaphore_mem>>
    %dma_wait3A_774 = tpu.memref_squeeze %dma_wait3A_773 : memref<1x!tpu.dma_semaphore, #tpu.memory_space<semaphore_mem>> -> memref<!tpu.dma_semaphore, #tpu.memory_space<semaphore_mem>>
    tpu.wait_indirect_dma semaphore(%dma_wait3A_774 : memref<!tpu.dma_semaphore, #tpu.memory_space<semaphore_mem>>) src(%dma_wait3A_772 : memref<100000x32xf32, #tpu.memory_space<hbm>>) dst(%dma_wait3A_766 : memref<640x32xf32, #tpu.memory_space<vmem>>)
    %add3A_775 = arith.constant 5120 : i32
    %add3A_776 = arith.addi %mul3A_2, %add3A_775 : i32
    %dma_start3A_777 = arith.constant 0 : i32
    %dma_start3A_778 = arith.constant 0 : i32
    %dma_start3A_779 = arith.constant 0 : i32
    %dma_start3A_780 = arith.constant 0 : i32
    %dma_start3A_781 = tpu.memref_slice %arg6[%dma_start3A_777, %dma_start3A_779, %dma_start3A_780] : memref<2x640x32xf32, #tpu.memory_space<vmem>> -> memref<1x640x32xf32, #tpu.memory_space<vmem>>
    %dma_start3A_782 = tpu.memref_squeeze %dma_start3A_781 : memref<1x640x32xf32, #tpu.memory_space<vmem>> -> memref<640x32xf32, #tpu.memory_space<vmem>>
    %dma_start3A_783 = arith.constant 0 : i32
    %dma_start3A_784 = tpu.memref_slice %arg4[%add3A_776, %dma_start3A_783] : memref<204800x128xf32, #tpu.memory_space<hbm>> -> memref<640x32xf32, #tpu.memory_space<hbm>>
    %dma_start3A_785 = tpu.memref_slice %arg9[%dma_start3A_778] : memref<2x!tpu.dma_semaphore, #tpu.memory_space<semaphore_mem>> -> memref<1x!tpu.dma_semaphore, #tpu.memory_space<semaphore_mem>>
    %dma_start3A_786 = tpu.memref_squeeze %dma_start3A_785 : memref<1x!tpu.dma_semaphore, #tpu.memory_space<semaphore_mem>> -> memref<!tpu.dma_semaphore, #tpu.memory_space<semaphore_mem>>
    %dma_start3A_787 = arith.constant 0 : i32
    %dma_start3A_788 = tpu.memref_slice %arg4[%add3A_776, %dma_start3A_787] : memref<204800x128xf32, #tpu.memory_space<hbm>> -> memref<640x32xf32, #tpu.memory_space<hbm>>
    %dma_start3A_789 = arith.constant 0 : i32
    %dma_start3A_790 = arith.constant 0 : i32
    %dma_start3A_791 = tpu.memref_slice %arg6[%dma_start3A_777, %dma_start3A_789, %dma_start3A_790] : memref<2x640x32xf32, #tpu.memory_space<vmem>> -> memref<1x640x32xf32, #tpu.memory_space<vmem>>
    %dma_start3A_792 = tpu.memref_squeeze %dma_start3A_791 : memref<1x640x32xf32, #tpu.memory_space<vmem>> -> memref<640x32xf32, #tpu.memory_space<vmem>>
    tpu.enqueue_dma source(%dma_start3A_792 : memref<640x32xf32, #tpu.memory_space<vmem>>) target(%dma_start3A_788 : memref<640x32xf32, #tpu.memory_space<hbm>>) target_semaphore(%dma_start3A_786 : memref<!tpu.dma_semaphore, #tpu.memory_space<semaphore_mem>>)
    %dma_wait3A_793 = arith.constant 1 : i32
    %dma_wait3A_794 = arith.constant 1 : i32
    %dma_wait3A_795 = arith.constant 0 : i32
    %dma_wait3A_796 = arith.constant 0 : i32
    %dma_wait3A_797 = tpu.memref_slice %arg6[%dma_wait3A_793, %dma_wait3A_795, %dma_wait3A_796] : memref<2x640x32xf32, #tpu.memory_space<vmem>> -> memref<1x640x32xf32, #tpu.memory_space<vmem>>
    %dma_wait3A_798 = tpu.memref_squeeze %dma_wait3A_797 : memref<1x640x32xf32, #tpu.memory_space<vmem>> -> memref<640x32xf32, #tpu.memory_space<vmem>>
    %dma_wait3A_799 = arith.constant 0 : i32
    %dma_wait3A_800 = tpu.memref_slice %arg4[%add3A_686, %dma_wait3A_799] : memref<204800x128xf32, #tpu.memory_space<hbm>> -> memref<640x32xf32, #tpu.memory_space<hbm>>
    %dma_wait3A_801 = tpu.memref_slice %arg9[%dma_wait3A_794] : memref<2x!tpu.dma_semaphore, #tpu.memory_space<semaphore_mem>> -> memref<1x!tpu.dma_semaphore, #tpu.memory_space<semaphore_mem>>
    %dma_wait3A_802 = tpu.memref_squeeze %dma_wait3A_801 : memref<1x!tpu.dma_semaphore, #tpu.memory_space<semaphore_mem>> -> memref<!tpu.dma_semaphore, #tpu.memory_space<semaphore_mem>>
    %dma_wait3A_803 = arith.constant 0 : i32
    %dma_wait3A_804 = tpu.memref_slice %arg4[%add3A_686, %dma_wait3A_803] : memref<204800x128xf32, #tpu.memory_space<hbm>> -> memref<640x32xf32, #tpu.memory_space<hbm>>
    %dma_wait3A_805 = arith.constant 0 : i32
    %dma_wait3A_806 = arith.constant 0 : i32
    %dma_wait3A_807 = tpu.memref_slice %arg6[%dma_wait3A_793, %dma_wait3A_805, %dma_wait3A_806] : memref<2x640x32xf32, #tpu.memory_space<vmem>> -> memref<1x640x32xf32, #tpu.memory_space<vmem>>
    %dma_wait3A_808 = tpu.memref_squeeze %dma_wait3A_807 : memref<1x640x32xf32, #tpu.memory_space<vmem>> -> memref<640x32xf32, #tpu.memory_space<vmem>>
    tpu.wait_dma2 semaphore(%dma_wait3A_802 : memref<!tpu.dma_semaphore, #tpu.memory_space<semaphore_mem>>) src(%dma_wait3A_808 : memref<640x32xf32, #tpu.memory_space<vmem>>) dst(%dma_wait3A_804 : memref<640x32xf32, #tpu.memory_space<hbm>>)
    %dma_wait3A_809 = arith.constant 1 : i32
    %dma_wait3A_810 = arith.constant 1 : i32
    %dma_wait3A_811 = arith.constant 0 : i32
    %dma_wait3A_812 = tpu.memref_slice %arg5[%dma_wait3A_809, %dma_wait3A_811] : memref<2x640xi32, #tpu.memory_space<vmem>> -> memref<1x640xi32, #tpu.memory_space<vmem>>
    %dma_wait3A_813 = tpu.memref_squeeze %dma_wait3A_812 : memref<1x640xi32, #tpu.memory_space<vmem>> -> memref<640xi32, #tpu.memory_space<vmem>>
    %dma_wait3A_814 = tpu.memref_slice %arg2[%add3A_704] : memref<204800xi32, #tpu.memory_space<hbm>> -> memref<640xi32, #tpu.memory_space<hbm>>
    %dma_wait3A_815 = tpu.memref_slice %arg7[%dma_wait3A_810] : memref<2x!tpu.dma_semaphore, #tpu.memory_space<semaphore_mem>> -> memref<1x!tpu.dma_semaphore, #tpu.memory_space<semaphore_mem>>
    %dma_wait3A_816 = tpu.memref_squeeze %dma_wait3A_815 : memref<1x!tpu.dma_semaphore, #tpu.memory_space<semaphore_mem>> -> memref<!tpu.dma_semaphore, #tpu.memory_space<semaphore_mem>>
    %dma_wait3A_817 = arith.constant 0 : i32
    %dma_wait3A_818 = tpu.memref_slice %arg5[%dma_wait3A_809, %dma_wait3A_817] : memref<2x640xi32, #tpu.memory_space<vmem>> -> memref<1x640xi32, #tpu.memory_space<vmem>>
    %dma_wait3A_819 = tpu.memref_squeeze %dma_wait3A_818 : memref<1x640xi32, #tpu.memory_space<vmem>> -> memref<640xi32, #tpu.memory_space<vmem>>
    %dma_wait3A_820 = tpu.memref_slice %arg2[%add3A_704] : memref<204800xi32, #tpu.memory_space<hbm>> -> memref<640xi32, #tpu.memory_space<hbm>>
    tpu.wait_dma2 semaphore(%dma_wait3A_816 : memref<!tpu.dma_semaphore, #tpu.memory_space<semaphore_mem>>) src(%dma_wait3A_820 : memref<640xi32, #tpu.memory_space<hbm>>) dst(%dma_wait3A_819 : memref<640xi32, #tpu.memory_space<vmem>>)
    %dma_start3A_821 = arith.constant 1 : i32
    %dma_start3A_822 = arith.constant 1 : i32
    %dma_start3A_823 = arith.constant 1 : i32
    %dma_start3A_824 = arith.constant 0 : i32
    %dma_start3A_825 = arith.constant 0 : i32
    %dma_start3A_826 = tpu.memref_slice %arg6[%dma_start3A_822, %dma_start3A_824, %dma_start3A_825] : memref<2x640x32xf32, #tpu.memory_space<vmem>> -> memref<1x640x32xf32, #tpu.memory_space<vmem>>
    %dma_start3A_827 = tpu.memref_squeeze %dma_start3A_826 : memref<1x640x32xf32, #tpu.memory_space<vmem>> -> memref<640x32xf32, #tpu.memory_space<vmem>>
    %dma_start3A_828 = arith.constant 0 : i32
    %dma_start3A_829 = tpu.memref_slice %arg5[%dma_start3A_821, %dma_start3A_828] : memref<2x640xi32, #tpu.memory_space<vmem>> -> memref<1x640xi32, #tpu.memory_space<vmem>>
    %dma_start3A_830 = tpu.memref_squeeze %dma_start3A_829 : memref<1x640xi32, #tpu.memory_space<vmem>> -> memref<640xi32, #tpu.memory_space<vmem>>
    %dma_start3A_831 = arith.constant 0 : i32
    %dma_start3A_832 = arith.constant 0 : i32
    %dma_start3A_833 = tpu.memref_slice %arg3[%dma_start3A_831, %dma_start3A_832] : memref<100000x32xf32, #tpu.memory_space<hbm>> -> memref<100000x32xf32, #tpu.memory_space<hbm>>
    %dma_start3A_834 = tpu.memref_slice %arg8[%dma_start3A_823] : memref<2x!tpu.dma_semaphore, #tpu.memory_space<semaphore_mem>> -> memref<1x!tpu.dma_semaphore, #tpu.memory_space<semaphore_mem>>
    %dma_start3A_835 = tpu.memref_squeeze %dma_start3A_834 : memref<1x!tpu.dma_semaphore, #tpu.memory_space<semaphore_mem>> -> memref<!tpu.dma_semaphore, #tpu.memory_space<semaphore_mem>>
    tpu.enqueue_indirect_dma source(%dma_start3A_833 : memref<100000x32xf32, #tpu.memory_space<hbm>>) target(%dma_start3A_827 : memref<640x32xf32, #tpu.memory_space<vmem>>) offsets(%dma_start3A_830 : memref<640xi32, #tpu.memory_space<vmem>>) semaphore(%dma_start3A_835 : memref<!tpu.dma_semaphore, #tpu.memory_space<semaphore_mem>>)
    %dma_wait3A_836 = arith.constant 1 : i32
    %dma_wait3A_837 = arith.constant 1 : i32
    %dma_wait3A_838 = arith.constant 1 : i32
    %dma_wait3A_839 = arith.constant 0 : i32
    %dma_wait3A_840 = arith.constant 0 : i32
    %dma_wait3A_841 = tpu.memref_slice %arg6[%dma_wait3A_837, %dma_wait3A_839, %dma_wait3A_840] : memref<2x640x32xf32, #tpu.memory_space<vmem>> -> memref<1x640x32xf32, #tpu.memory_space<vmem>>
    %dma_wait3A_842 = tpu.memref_squeeze %dma_wait3A_841 : memref<1x640x32xf32, #tpu.memory_space<vmem>> -> memref<640x32xf32, #tpu.memory_space<vmem>>
    %dma_wait3A_843 = arith.constant 0 : i32
    %dma_wait3A_844 = tpu.memref_slice %arg5[%dma_wait3A_836, %dma_wait3A_843] : memref<2x640xi32, #tpu.memory_space<vmem>> -> memref<1x640xi32, #tpu.memory_space<vmem>>
    %dma_wait3A_845 = tpu.memref_squeeze %dma_wait3A_844 : memref<1x640xi32, #tpu.memory_space<vmem>> -> memref<640xi32, #tpu.memory_space<vmem>>
    %dma_wait3A_846 = arith.constant 0 : i32
    %dma_wait3A_847 = arith.constant 0 : i32
    %dma_wait3A_848 = tpu.memref_slice %arg3[%dma_wait3A_846, %dma_wait3A_847] : memref<100000x32xf32, #tpu.memory_space<hbm>> -> memref<100000x32xf32, #tpu.memory_space<hbm>>
    %dma_wait3A_849 = tpu.memref_slice %arg8[%dma_wait3A_838] : memref<2x!tpu.dma_semaphore, #tpu.memory_space<semaphore_mem>> -> memref<1x!tpu.dma_semaphore, #tpu.memory_space<semaphore_mem>>
    %dma_wait3A_850 = tpu.memref_squeeze %dma_wait3A_849 : memref<1x!tpu.dma_semaphore, #tpu.memory_space<semaphore_mem>> -> memref<!tpu.dma_semaphore, #tpu.memory_space<semaphore_mem>>
    tpu.wait_indirect_dma semaphore(%dma_wait3A_850 : memref<!tpu.dma_semaphore, #tpu.memory_space<semaphore_mem>>) src(%dma_wait3A_848 : memref<100000x32xf32, #tpu.memory_space<hbm>>) dst(%dma_wait3A_842 : memref<640x32xf32, #tpu.memory_space<vmem>>)
    %add3A_851 = arith.constant 5760 : i32
    %add3A_852 = arith.addi %mul3A_2, %add3A_851 : i32
    %dma_start3A_853 = arith.constant 1 : i32
    %dma_start3A_854 = arith.constant 1 : i32
    %dma_start3A_855 = arith.constant 0 : i32
    %dma_start3A_856 = arith.constant 0 : i32
    %dma_start3A_857 = tpu.memref_slice %arg6[%dma_start3A_853, %dma_start3A_855, %dma_start3A_856] : memref<2x640x32xf32, #tpu.memory_space<vmem>> -> memref<1x640x32xf32, #tpu.memory_space<vmem>>
    %dma_start3A_858 = tpu.memref_squeeze %dma_start3A_857 : memref<1x640x32xf32, #tpu.memory_space<vmem>> -> memref<640x32xf32, #tpu.memory_space<vmem>>
    %dma_start3A_859 = arith.constant 0 : i32
    %dma_start3A_860 = tpu.memref_slice %arg4[%add3A_852, %dma_start3A_859] : memref<204800x128xf32, #tpu.memory_space<hbm>> -> memref<640x32xf32, #tpu.memory_space<hbm>>
    %dma_start3A_861 = tpu.memref_slice %arg9[%dma_start3A_854] : memref<2x!tpu.dma_semaphore, #tpu.memory_space<semaphore_mem>> -> memref<1x!tpu.dma_semaphore, #tpu.memory_space<semaphore_mem>>
    %dma_start3A_862 = tpu.memref_squeeze %dma_start3A_861 : memref<1x!tpu.dma_semaphore, #tpu.memory_space<semaphore_mem>> -> memref<!tpu.dma_semaphore, #tpu.memory_space<semaphore_mem>>
    %dma_start3A_863 = arith.constant 0 : i32
    %dma_start3A_864 = tpu.memref_slice %arg4[%add3A_852, %dma_start3A_863] : memref<204800x128xf32, #tpu.memory_space<hbm>> -> memref<640x32xf32, #tpu.memory_space<hbm>>
    %dma_start3A_865 = arith.constant 0 : i32
    %dma_start3A_866 = arith.constant 0 : i32
    %dma_start3A_867 = tpu.memref_slice %arg6[%dma_start3A_853, %dma_start3A_865, %dma_start3A_866] : memref<2x640x32xf32, #tpu.memory_space<vmem>> -> memref<1x640x32xf32, #tpu.memory_space<vmem>>
    %dma_start3A_868 = tpu.memref_squeeze %dma_start3A_867 : memref<1x640x32xf32, #tpu.memory_space<vmem>> -> memref<640x32xf32, #tpu.memory_space<vmem>>
    tpu.enqueue_dma source(%dma_start3A_868 : memref<640x32xf32, #tpu.memory_space<vmem>>) target(%dma_start3A_864 : memref<640x32xf32, #tpu.memory_space<hbm>>) target_semaphore(%dma_start3A_862 : memref<!tpu.dma_semaphore, #tpu.memory_space<semaphore_mem>>)
    %dma_wait3A_869 = arith.constant 0 : i32
    %dma_wait3A_870 = arith.constant 0 : i32
    %dma_wait3A_871 = arith.constant 0 : i32
    %dma_wait3A_872 = arith.constant 0 : i32
    %dma_wait3A_873 = tpu.memref_slice %arg6[%dma_wait3A_869, %dma_wait3A_871, %dma_wait3A_872] : memref<2x640x32xf32, #tpu.memory_space<vmem>> -> memref<1x640x32xf32, #tpu.memory_space<vmem>>
    %dma_wait3A_874 = tpu.memref_squeeze %dma_wait3A_873 : memref<1x640x32xf32, #tpu.memory_space<vmem>> -> memref<640x32xf32, #tpu.memory_space<vmem>>
    %dma_wait3A_875 = arith.constant 0 : i32
    %dma_wait3A_876 = tpu.memref_slice %arg4[%add3A_776, %dma_wait3A_875] : memref<204800x128xf32, #tpu.memory_space<hbm>> -> memref<640x32xf32, #tpu.memory_space<hbm>>
    %dma_wait3A_877 = tpu.memref_slice %arg9[%dma_wait3A_870] : memref<2x!tpu.dma_semaphore, #tpu.memory_space<semaphore_mem>> -> memref<1x!tpu.dma_semaphore, #tpu.memory_space<semaphore_mem>>
    %dma_wait3A_878 = tpu.memref_squeeze %dma_wait3A_877 : memref<1x!tpu.dma_semaphore, #tpu.memory_space<semaphore_mem>> -> memref<!tpu.dma_semaphore, #tpu.memory_space<semaphore_mem>>
    %dma_wait3A_879 = arith.constant 0 : i32
    %dma_wait3A_880 = tpu.memref_slice %arg4[%add3A_776, %dma_wait3A_879] : memref<204800x128xf32, #tpu.memory_space<hbm>> -> memref<640x32xf32, #tpu.memory_space<hbm>>
    %dma_wait3A_881 = arith.constant 0 : i32
    %dma_wait3A_882 = arith.constant 0 : i32
    %dma_wait3A_883 = tpu.memref_slice %arg6[%dma_wait3A_869, %dma_wait3A_881, %dma_wait3A_882] : memref<2x640x32xf32, #tpu.memory_space<vmem>> -> memref<1x640x32xf32, #tpu.memory_space<vmem>>
    %dma_wait3A_884 = tpu.memref_squeeze %dma_wait3A_883 : memref<1x640x32xf32, #tpu.memory_space<vmem>> -> memref<640x32xf32, #tpu.memory_space<vmem>>
    tpu.wait_dma2 semaphore(%dma_wait3A_878 : memref<!tpu.dma_semaphore, #tpu.memory_space<semaphore_mem>>) src(%dma_wait3A_884 : memref<640x32xf32, #tpu.memory_space<vmem>>) dst(%dma_wait3A_880 : memref<640x32xf32, #tpu.memory_space<hbm>>)
    %dma_wait3A_885 = arith.constant 1 : i32
    %dma_wait3A_886 = arith.constant 1 : i32
    %dma_wait3A_887 = arith.constant 0 : i32
    %dma_wait3A_888 = arith.constant 0 : i32
    %dma_wait3A_889 = tpu.memref_slice %arg6[%dma_wait3A_885, %dma_wait3A_887, %dma_wait3A_888] : memref<2x640x32xf32, #tpu.memory_space<vmem>> -> memref<1x640x32xf32, #tpu.memory_space<vmem>>
    %dma_wait3A_890 = tpu.memref_squeeze %dma_wait3A_889 : memref<1x640x32xf32, #tpu.memory_space<vmem>> -> memref<640x32xf32, #tpu.memory_space<vmem>>
    %dma_wait3A_891 = arith.constant 0 : i32
    %dma_wait3A_892 = tpu.memref_slice %arg4[%add3A_852, %dma_wait3A_891] : memref<204800x128xf32, #tpu.memory_space<hbm>> -> memref<640x32xf32, #tpu.memory_space<hbm>>
    %dma_wait3A_893 = tpu.memref_slice %arg9[%dma_wait3A_886] : memref<2x!tpu.dma_semaphore, #tpu.memory_space<semaphore_mem>> -> memref<1x!tpu.dma_semaphore, #tpu.memory_space<semaphore_mem>>
    %dma_wait3A_894 = tpu.memref_squeeze %dma_wait3A_893 : memref<1x!tpu.dma_semaphore, #tpu.memory_space<semaphore_mem>> -> memref<!tpu.dma_semaphore, #tpu.memory_space<semaphore_mem>>
    %dma_wait3A_895 = arith.constant 0 : i32
    %dma_wait3A_896 = tpu.memref_slice %arg4[%add3A_852, %dma_wait3A_895] : memref<204800x128xf32, #tpu.memory_space<hbm>> -> memref<640x32xf32, #tpu.memory_space<hbm>>
    %dma_wait3A_897 = arith.constant 0 : i32
    %dma_wait3A_898 = arith.constant 0 : i32
    %dma_wait3A_899 = tpu.memref_slice %arg6[%dma_wait3A_885, %dma_wait3A_897, %dma_wait3A_898] : memref<2x640x32xf32, #tpu.memory_space<vmem>> -> memref<1x640x32xf32, #tpu.memory_space<vmem>>
    %dma_wait3A_900 = tpu.memref_squeeze %dma_wait3A_899 : memref<1x640x32xf32, #tpu.memory_space<vmem>> -> memref<640x32xf32, #tpu.memory_space<vmem>>
    tpu.wait_dma2 semaphore(%dma_wait3A_894 : memref<!tpu.dma_semaphore, #tpu.memory_space<semaphore_mem>>) src(%dma_wait3A_900 : memref<640x32xf32, #tpu.memory_space<vmem>>) dst(%dma_wait3A_896 : memref<640x32xf32, #tpu.memory_space<hbm>>)
    return
  }
}

module attributes {stable_mosaic.version = 14 : i64} {
  func.func @body(%arg0: i32, %arg1: memref<1024x8x128xf32, #tpu.memory_space<vmem>>, %arg2: memref<1024x8x128xf32, #tpu.memory_space<vmem>>, %arg3: memref<8x160x1024xf32, #tpu.memory_space<vmem>>) attributes {dimension_semantics = [#tpu.dimension_semantics<arbitrary>], iteration_bounds = array<i64: 25>, scalar_prefetch = 0 : i64, scratch_operands = 0 : i64, tpu.core_type = #tpu.core_type<tc>, window_params = [{transform_indices = @transform_0, window_bounds = array<i64: 1024, 8, 128>}, {transform_indices = @transform_1, window_bounds = array<i64: 1024, 8, 128>}, {transform_indices = @transform_2, window_bounds = array<i64: 8, 160, 1024>}]} {
    %get3A = arith.constant 0 : index
    %get3A_0 = arith.constant 0 : index
    %get3A_1 = arith.constant 0 : index
    %get3A_2 = vector.load %arg1[%get3A, %get3A_0, %get3A_1] : memref<1024x8x128xf32, #tpu.memory_space<vmem>>, vector<1024x1x128xf32>
    %get3A_3 = vector.shape_cast %get3A_2 : vector<1024x1x128xf32> to vector<1024x128xf32>
    %transpose3A = tpu.transpose %get3A_3, [1, 0] : vector<1024x128xf32> -> vector<128x1024xf32>
    %swap3A = arith.constant 0 : index
    %swap3A_4 = arith.constant 0 : index
    %swap3A_5 = arith.constant 0 : index
    %swap3A_6 = vector.load %arg3[%swap3A, %swap3A_4, %swap3A_5] : memref<8x160x1024xf32, #tpu.memory_space<vmem>>, vector<1x128x1024xf32>
    %swap3A_7 = vector.shape_cast %swap3A_6 : vector<1x128x1024xf32> to vector<128x1024xf32>
    %swap3A_8 = vector.shape_cast %transpose3A : vector<128x1024xf32> to vector<1x128x1024xf32>
    tpu.vector_store %arg3[%swap3A, %swap3A_4, %swap3A_5], %swap3A_8 {strides = array<i32>} : memref<8x160x1024xf32, #tpu.memory_space<vmem>>, vector<1x128x1024xf32>,
    %get3A_9 = arith.constant 0 : index
    %get3A_10 = arith.constant 0 : index
    %get3A_11 = arith.constant 0 : index
    %get3A_12 = vector.load %arg2[%get3A_9, %get3A_10, %get3A_11] : memref<1024x8x128xf32, #tpu.memory_space<vmem>>, vector<1024x1x32xf32>
    %get3A_13 = vector.shape_cast %get3A_12 : vector<1024x1x32xf32> to vector<1024x32xf32>
    %transpose3A_14 = tpu.transpose %get3A_13, [1, 0] : vector<1024x32xf32> -> vector<32x1024xf32>
    %swap3A_15 = arith.constant 0 : index
    %swap3A_16 = arith.constant 128 : index
    %swap3A_17 = arith.constant 0 : index
    %swap3A_18 = vector.load %arg3[%swap3A_15, %swap3A_16, %swap3A_17] : memref<8x160x1024xf32, #tpu.memory_space<vmem>>, vector<1x32x1024xf32>
    %swap3A_19 = vector.shape_cast %swap3A_18 : vector<1x32x1024xf32> to vector<32x1024xf32>
    %swap3A_20 = vector.shape_cast %transpose3A_14 : vector<32x1024xf32> to vector<1x32x1024xf32>
    tpu.vector_store %arg3[%swap3A_15, %swap3A_16, %swap3A_17], %swap3A_20 {strides = array<i32>} : memref<8x160x1024xf32, #tpu.memory_space<vmem>>, vector<1x32x1024xf32>,
    %get3A_21 = arith.constant 0 : index
    %get3A_22 = arith.constant 1 : index
    %get3A_23 = arith.constant 0 : index
    %get3A_24 = vector.load %arg1[%get3A_21, %get3A_22, %get3A_23] : memref<1024x8x128xf32, #tpu.memory_space<vmem>>, vector<1024x1x128xf32>
    %get3A_25 = vector.shape_cast %get3A_24 : vector<1024x1x128xf32> to vector<1024x128xf32>
    %transpose3A_26 = tpu.transpose %get3A_25, [1, 0] : vector<1024x128xf32> -> vector<128x1024xf32>
    %swap3A_27 = arith.constant 1 : index
    %swap3A_28 = arith.constant 0 : index
    %swap3A_29 = arith.constant 0 : index
    %swap3A_30 = vector.load %arg3[%swap3A_27, %swap3A_28, %swap3A_29] : memref<8x160x1024xf32, #tpu.memory_space<vmem>>, vector<1x128x1024xf32>
    %swap3A_31 = vector.shape_cast %swap3A_30 : vector<1x128x1024xf32> to vector<128x1024xf32>
    %swap3A_32 = vector.shape_cast %transpose3A_26 : vector<128x1024xf32> to vector<1x128x1024xf32>
    tpu.vector_store %arg3[%swap3A_27, %swap3A_28, %swap3A_29], %swap3A_32 {strides = array<i32>} : memref<8x160x1024xf32, #tpu.memory_space<vmem>>, vector<1x128x1024xf32>,
    %get3A_33 = arith.constant 0 : index
    %get3A_34 = arith.constant 1 : index
    %get3A_35 = arith.constant 0 : index
    %get3A_36 = vector.load %arg2[%get3A_33, %get3A_34, %get3A_35] : memref<1024x8x128xf32, #tpu.memory_space<vmem>>, vector<1024x1x32xf32>
    %get3A_37 = vector.shape_cast %get3A_36 : vector<1024x1x32xf32> to vector<1024x32xf32>
    %transpose3A_38 = tpu.transpose %get3A_37, [1, 0] : vector<1024x32xf32> -> vector<32x1024xf32>
    %swap3A_39 = arith.constant 1 : index
    %swap3A_40 = arith.constant 128 : index
    %swap3A_41 = arith.constant 0 : index
    %swap3A_42 = vector.load %arg3[%swap3A_39, %swap3A_40, %swap3A_41] : memref<8x160x1024xf32, #tpu.memory_space<vmem>>, vector<1x32x1024xf32>
    %swap3A_43 = vector.shape_cast %swap3A_42 : vector<1x32x1024xf32> to vector<32x1024xf32>
    %swap3A_44 = vector.shape_cast %transpose3A_38 : vector<32x1024xf32> to vector<1x32x1024xf32>
    tpu.vector_store %arg3[%swap3A_39, %swap3A_40, %swap3A_41], %swap3A_44 {strides = array<i32>} : memref<8x160x1024xf32, #tpu.memory_space<vmem>>, vector<1x32x1024xf32>,
    %get3A_45 = arith.constant 0 : index
    %get3A_46 = arith.constant 2 : index
    %get3A_47 = arith.constant 0 : index
    %get3A_48 = vector.load %arg1[%get3A_45, %get3A_46, %get3A_47] : memref<1024x8x128xf32, #tpu.memory_space<vmem>>, vector<1024x1x128xf32>
    %get3A_49 = vector.shape_cast %get3A_48 : vector<1024x1x128xf32> to vector<1024x128xf32>
    %transpose3A_50 = tpu.transpose %get3A_49, [1, 0] : vector<1024x128xf32> -> vector<128x1024xf32>
    %swap3A_51 = arith.constant 2 : index
    %swap3A_52 = arith.constant 0 : index
    %swap3A_53 = arith.constant 0 : index
    %swap3A_54 = vector.load %arg3[%swap3A_51, %swap3A_52, %swap3A_53] : memref<8x160x1024xf32, #tpu.memory_space<vmem>>, vector<1x128x1024xf32>
    %swap3A_55 = vector.shape_cast %swap3A_54 : vector<1x128x1024xf32> to vector<128x1024xf32>
    %swap3A_56 = vector.shape_cast %transpose3A_50 : vector<128x1024xf32> to vector<1x128x1024xf32>
    tpu.vector_store %arg3[%swap3A_51, %swap3A_52, %swap3A_53], %swap3A_56 {strides = array<i32>} : memref<8x160x1024xf32, #tpu.memory_space<vmem>>, vector<1x128x1024xf32>,
    %get3A_57 = arith.constant 0 : index
    %get3A_58 = arith.constant 2 : index
    %get3A_59 = arith.constant 0 : index
    %get3A_60 = vector.load %arg2[%get3A_57, %get3A_58, %get3A_59] : memref<1024x8x128xf32, #tpu.memory_space<vmem>>, vector<1024x1x32xf32>
    %get3A_61 = vector.shape_cast %get3A_60 : vector<1024x1x32xf32> to vector<1024x32xf32>
    %transpose3A_62 = tpu.transpose %get3A_61, [1, 0] : vector<1024x32xf32> -> vector<32x1024xf32>
    %swap3A_63 = arith.constant 2 : index
    %swap3A_64 = arith.constant 128 : index
    %swap3A_65 = arith.constant 0 : index
    %swap3A_66 = vector.load %arg3[%swap3A_63, %swap3A_64, %swap3A_65] : memref<8x160x1024xf32, #tpu.memory_space<vmem>>, vector<1x32x1024xf32>
    %swap3A_67 = vector.shape_cast %swap3A_66 : vector<1x32x1024xf32> to vector<32x1024xf32>
    %swap3A_68 = vector.shape_cast %transpose3A_62 : vector<32x1024xf32> to vector<1x32x1024xf32>
    tpu.vector_store %arg3[%swap3A_63, %swap3A_64, %swap3A_65], %swap3A_68 {strides = array<i32>} : memref<8x160x1024xf32, #tpu.memory_space<vmem>>, vector<1x32x1024xf32>,
    %get3A_69 = arith.constant 0 : index
    %get3A_70 = arith.constant 3 : index
    %get3A_71 = arith.constant 0 : index
    %get3A_72 = vector.load %arg1[%get3A_69, %get3A_70, %get3A_71] : memref<1024x8x128xf32, #tpu.memory_space<vmem>>, vector<1024x1x128xf32>
    %get3A_73 = vector.shape_cast %get3A_72 : vector<1024x1x128xf32> to vector<1024x128xf32>
    %transpose3A_74 = tpu.transpose %get3A_73, [1, 0] : vector<1024x128xf32> -> vector<128x1024xf32>
    %swap3A_75 = arith.constant 3 : index
    %swap3A_76 = arith.constant 0 : index
    %swap3A_77 = arith.constant 0 : index
    %swap3A_78 = vector.load %arg3[%swap3A_75, %swap3A_76, %swap3A_77] : memref<8x160x1024xf32, #tpu.memory_space<vmem>>, vector<1x128x1024xf32>
    %swap3A_79 = vector.shape_cast %swap3A_78 : vector<1x128x1024xf32> to vector<128x1024xf32>
    %swap3A_80 = vector.shape_cast %transpose3A_74 : vector<128x1024xf32> to vector<1x128x1024xf32>
    tpu.vector_store %arg3[%swap3A_75, %swap3A_76, %swap3A_77], %swap3A_80 {strides = array<i32>} : memref<8x160x1024xf32, #tpu.memory_space<vmem>>, vector<1x128x1024xf32>,
    %get3A_81 = arith.constant 0 : index
    %get3A_82 = arith.constant 3 : index
    %get3A_83 = arith.constant 0 : index
    %get3A_84 = vector.load %arg2[%get3A_81, %get3A_82, %get3A_83] : memref<1024x8x128xf32, #tpu.memory_space<vmem>>, vector<1024x1x32xf32>
    %get3A_85 = vector.shape_cast %get3A_84 : vector<1024x1x32xf32> to vector<1024x32xf32>
    %transpose3A_86 = tpu.transpose %get3A_85, [1, 0] : vector<1024x32xf32> -> vector<32x1024xf32>
    %swap3A_87 = arith.constant 3 : index
    %swap3A_88 = arith.constant 128 : index
    %swap3A_89 = arith.constant 0 : index
    %swap3A_90 = vector.load %arg3[%swap3A_87, %swap3A_88, %swap3A_89] : memref<8x160x1024xf32, #tpu.memory_space<vmem>>, vector<1x32x1024xf32>
    %swap3A_91 = vector.shape_cast %swap3A_90 : vector<1x32x1024xf32> to vector<32x1024xf32>
    %swap3A_92 = vector.shape_cast %transpose3A_86 : vector<32x1024xf32> to vector<1x32x1024xf32>
    tpu.vector_store %arg3[%swap3A_87, %swap3A_88, %swap3A_89], %swap3A_92 {strides = array<i32>} : memref<8x160x1024xf32, #tpu.memory_space<vmem>>, vector<1x32x1024xf32>,
    %get3A_93 = arith.constant 0 : index
    %get3A_94 = arith.constant 4 : index
    %get3A_95 = arith.constant 0 : index
    %get3A_96 = vector.load %arg1[%get3A_93, %get3A_94, %get3A_95] : memref<1024x8x128xf32, #tpu.memory_space<vmem>>, vector<1024x1x128xf32>
    %get3A_97 = vector.shape_cast %get3A_96 : vector<1024x1x128xf32> to vector<1024x128xf32>
    %transpose3A_98 = tpu.transpose %get3A_97, [1, 0] : vector<1024x128xf32> -> vector<128x1024xf32>
    %swap3A_99 = arith.constant 4 : index
    %swap3A_100 = arith.constant 0 : index
    %swap3A_101 = arith.constant 0 : index
    %swap3A_102 = vector.load %arg3[%swap3A_99, %swap3A_100, %swap3A_101] : memref<8x160x1024xf32, #tpu.memory_space<vmem>>, vector<1x128x1024xf32>
    %swap3A_103 = vector.shape_cast %swap3A_102 : vector<1x128x1024xf32> to vector<128x1024xf32>
    %swap3A_104 = vector.shape_cast %transpose3A_98 : vector<128x1024xf32> to vector<1x128x1024xf32>
    tpu.vector_store %arg3[%swap3A_99, %swap3A_100, %swap3A_101], %swap3A_104 {strides = array<i32>} : memref<8x160x1024xf32, #tpu.memory_space<vmem>>, vector<1x128x1024xf32>,
    %get3A_105 = arith.constant 0 : index
    %get3A_106 = arith.constant 4 : index
    %get3A_107 = arith.constant 0 : index
    %get3A_108 = vector.load %arg2[%get3A_105, %get3A_106, %get3A_107] : memref<1024x8x128xf32, #tpu.memory_space<vmem>>, vector<1024x1x32xf32>
    %get3A_109 = vector.shape_cast %get3A_108 : vector<1024x1x32xf32> to vector<1024x32xf32>
    %transpose3A_110 = tpu.transpose %get3A_109, [1, 0] : vector<1024x32xf32> -> vector<32x1024xf32>
    %swap3A_111 = arith.constant 4 : index
    %swap3A_112 = arith.constant 128 : index
    %swap3A_113 = arith.constant 0 : index
    %swap3A_114 = vector.load %arg3[%swap3A_111, %swap3A_112, %swap3A_113] : memref<8x160x1024xf32, #tpu.memory_space<vmem>>, vector<1x32x1024xf32>
    %swap3A_115 = vector.shape_cast %swap3A_114 : vector<1x32x1024xf32> to vector<32x1024xf32>
    %swap3A_116 = vector.shape_cast %transpose3A_110 : vector<32x1024xf32> to vector<1x32x1024xf32>
    tpu.vector_store %arg3[%swap3A_111, %swap3A_112, %swap3A_113], %swap3A_116 {strides = array<i32>} : memref<8x160x1024xf32, #tpu.memory_space<vmem>>, vector<1x32x1024xf32>,
    %get3A_117 = arith.constant 0 : index
    %get3A_118 = arith.constant 5 : index
    %get3A_119 = arith.constant 0 : index
    %get3A_120 = vector.load %arg1[%get3A_117, %get3A_118, %get3A_119] : memref<1024x8x128xf32, #tpu.memory_space<vmem>>, vector<1024x1x128xf32>
    %get3A_121 = vector.shape_cast %get3A_120 : vector<1024x1x128xf32> to vector<1024x128xf32>
    %transpose3A_122 = tpu.transpose %get3A_121, [1, 0] : vector<1024x128xf32> -> vector<128x1024xf32>
    %swap3A_123 = arith.constant 5 : index
    %swap3A_124 = arith.constant 0 : index
    %swap3A_125 = arith.constant 0 : index
    %swap3A_126 = vector.load %arg3[%swap3A_123, %swap3A_124, %swap3A_125] : memref<8x160x1024xf32, #tpu.memory_space<vmem>>, vector<1x128x1024xf32>
    %swap3A_127 = vector.shape_cast %swap3A_126 : vector<1x128x1024xf32> to vector<128x1024xf32>
    %swap3A_128 = vector.shape_cast %transpose3A_122 : vector<128x1024xf32> to vector<1x128x1024xf32>
    tpu.vector_store %arg3[%swap3A_123, %swap3A_124, %swap3A_125], %swap3A_128 {strides = array<i32>} : memref<8x160x1024xf32, #tpu.memory_space<vmem>>, vector<1x128x1024xf32>,
    %get3A_129 = arith.constant 0 : index
    %get3A_130 = arith.constant 5 : index
    %get3A_131 = arith.constant 0 : index
    %get3A_132 = vector.load %arg2[%get3A_129, %get3A_130, %get3A_131] : memref<1024x8x128xf32, #tpu.memory_space<vmem>>, vector<1024x1x32xf32>
    %get3A_133 = vector.shape_cast %get3A_132 : vector<1024x1x32xf32> to vector<1024x32xf32>
    %transpose3A_134 = tpu.transpose %get3A_133, [1, 0] : vector<1024x32xf32> -> vector<32x1024xf32>
    %swap3A_135 = arith.constant 5 : index
    %swap3A_136 = arith.constant 128 : index
    %swap3A_137 = arith.constant 0 : index
    %swap3A_138 = vector.load %arg3[%swap3A_135, %swap3A_136, %swap3A_137] : memref<8x160x1024xf32, #tpu.memory_space<vmem>>, vector<1x32x1024xf32>
    %swap3A_139 = vector.shape_cast %swap3A_138 : vector<1x32x1024xf32> to vector<32x1024xf32>
    %swap3A_140 = vector.shape_cast %transpose3A_134 : vector<32x1024xf32> to vector<1x32x1024xf32>
    tpu.vector_store %arg3[%swap3A_135, %swap3A_136, %swap3A_137], %swap3A_140 {strides = array<i32>} : memref<8x160x1024xf32, #tpu.memory_space<vmem>>, vector<1x32x1024xf32>,
    %get3A_141 = arith.constant 0 : index
    %get3A_142 = arith.constant 6 : index
    %get3A_143 = arith.constant 0 : index
    %get3A_144 = vector.load %arg1[%get3A_141, %get3A_142, %get3A_143] : memref<1024x8x128xf32, #tpu.memory_space<vmem>>, vector<1024x1x128xf32>
    %get3A_145 = vector.shape_cast %get3A_144 : vector<1024x1x128xf32> to vector<1024x128xf32>
    %transpose3A_146 = tpu.transpose %get3A_145, [1, 0] : vector<1024x128xf32> -> vector<128x1024xf32>
    %swap3A_147 = arith.constant 6 : index
    %swap3A_148 = arith.constant 0 : index
    %swap3A_149 = arith.constant 0 : index
    %swap3A_150 = vector.load %arg3[%swap3A_147, %swap3A_148, %swap3A_149] : memref<8x160x1024xf32, #tpu.memory_space<vmem>>, vector<1x128x1024xf32>
    %swap3A_151 = vector.shape_cast %swap3A_150 : vector<1x128x1024xf32> to vector<128x1024xf32>
    %swap3A_152 = vector.shape_cast %transpose3A_146 : vector<128x1024xf32> to vector<1x128x1024xf32>
    tpu.vector_store %arg3[%swap3A_147, %swap3A_148, %swap3A_149], %swap3A_152 {strides = array<i32>} : memref<8x160x1024xf32, #tpu.memory_space<vmem>>, vector<1x128x1024xf32>,
    %get3A_153 = arith.constant 0 : index
    %get3A_154 = arith.constant 6 : index
    %get3A_155 = arith.constant 0 : index
    %get3A_156 = vector.load %arg2[%get3A_153, %get3A_154, %get3A_155] : memref<1024x8x128xf32, #tpu.memory_space<vmem>>, vector<1024x1x32xf32>
    %get3A_157 = vector.shape_cast %get3A_156 : vector<1024x1x32xf32> to vector<1024x32xf32>
    %transpose3A_158 = tpu.transpose %get3A_157, [1, 0] : vector<1024x32xf32> -> vector<32x1024xf32>
    %swap3A_159 = arith.constant 6 : index
    %swap3A_160 = arith.constant 128 : index
    %swap3A_161 = arith.constant 0 : index
    %swap3A_162 = vector.load %arg3[%swap3A_159, %swap3A_160, %swap3A_161] : memref<8x160x1024xf32, #tpu.memory_space<vmem>>, vector<1x32x1024xf32>
    %swap3A_163 = vector.shape_cast %swap3A_162 : vector<1x32x1024xf32> to vector<32x1024xf32>
    %swap3A_164 = vector.shape_cast %transpose3A_158 : vector<32x1024xf32> to vector<1x32x1024xf32>
    tpu.vector_store %arg3[%swap3A_159, %swap3A_160, %swap3A_161], %swap3A_164 {strides = array<i32>} : memref<8x160x1024xf32, #tpu.memory_space<vmem>>, vector<1x32x1024xf32>,
    %get3A_165 = arith.constant 0 : index
    %get3A_166 = arith.constant 7 : index
    %get3A_167 = arith.constant 0 : index
    %get3A_168 = vector.load %arg1[%get3A_165, %get3A_166, %get3A_167] : memref<1024x8x128xf32, #tpu.memory_space<vmem>>, vector<1024x1x128xf32>
    %get3A_169 = vector.shape_cast %get3A_168 : vector<1024x1x128xf32> to vector<1024x128xf32>
    %transpose3A_170 = tpu.transpose %get3A_169, [1, 0] : vector<1024x128xf32> -> vector<128x1024xf32>
    %swap3A_171 = arith.constant 7 : index
    %swap3A_172 = arith.constant 0 : index
    %swap3A_173 = arith.constant 0 : index
    %swap3A_174 = vector.load %arg3[%swap3A_171, %swap3A_172, %swap3A_173] : memref<8x160x1024xf32, #tpu.memory_space<vmem>>, vector<1x128x1024xf32>
    %swap3A_175 = vector.shape_cast %swap3A_174 : vector<1x128x1024xf32> to vector<128x1024xf32>
    %swap3A_176 = vector.shape_cast %transpose3A_170 : vector<128x1024xf32> to vector<1x128x1024xf32>
    tpu.vector_store %arg3[%swap3A_171, %swap3A_172, %swap3A_173], %swap3A_176 {strides = array<i32>} : memref<8x160x1024xf32, #tpu.memory_space<vmem>>, vector<1x128x1024xf32>,
    %get3A_177 = arith.constant 0 : index
    %get3A_178 = arith.constant 7 : index
    %get3A_179 = arith.constant 0 : index
    %get3A_180 = vector.load %arg2[%get3A_177, %get3A_178, %get3A_179] : memref<1024x8x128xf32, #tpu.memory_space<vmem>>, vector<1024x1x32xf32>
    %get3A_181 = vector.shape_cast %get3A_180 : vector<1024x1x32xf32> to vector<1024x32xf32>
    %transpose3A_182 = tpu.transpose %get3A_181, [1, 0] : vector<1024x32xf32> -> vector<32x1024xf32>
    %swap3A_183 = arith.constant 7 : index
    %swap3A_184 = arith.constant 128 : index
    %swap3A_185 = arith.constant 0 : index
    %swap3A_186 = vector.load %arg3[%swap3A_183, %swap3A_184, %swap3A_185] : memref<8x160x1024xf32, #tpu.memory_space<vmem>>, vector<1x32x1024xf32>
    %swap3A_187 = vector.shape_cast %swap3A_186 : vector<1x32x1024xf32> to vector<32x1024xf32>
    %swap3A_188 = vector.shape_cast %transpose3A_182 : vector<32x1024xf32> to vector<1x32x1024xf32>
    tpu.vector_store %arg3[%swap3A_183, %swap3A_184, %swap3A_185], %swap3A_188 {strides = array<i32>} : memref<8x160x1024xf32, #tpu.memory_space<vmem>>, vector<1x32x1024xf32>,
    return
  }
  func.func @transform_0(%arg0: i32) -> (i32, i32, i32) {
    %c0_i32 = arith.constant 0 : i32
    %c0_i32_0 = arith.constant 0 : i32
    %c0_i32_1 = arith.constant 0 : i32
    return %c0_i32, %arg0, %c0_i32_0 : i32, i32, i32
  }
  func.func @transform_1(%arg0: i32) -> (i32, i32, i32) {
    %c0_i32 = arith.constant 0 : i32
    %c0_i32_0 = arith.constant 0 : i32
    %c0_i32_1 = arith.constant 0 : i32
    return %c0_i32, %arg0, %c0_i32_0 : i32, i32, i32
  }
  func.func @transform_2(%arg0: i32) -> (i32, i32, i32) {
    %c0_i32 = arith.constant 0 : i32
    %c0_i32_0 = arith.constant 0 : i32
    %c0_i32_1 = arith.constant 0 : i32
    return %arg0, %c0_i32, %c0_i32_0 : i32, i32, i32
  }
}

</mosaic_0001>

<sc_bundles>
// kernel: kernel.4.cloned.1.call-start
scs
__scs_entry_jumppad:
0x0: {  	(pc) =	sbr.rel $0x88, $3  }
0x1: {  	(tag) =	ssettag $0x0;
	lr =	simm.s32 $0x1  }
0x2: {  	[smem:$0x3F9E] =	sst lr;
	_ =	strace $0xD0000000  }
0x3: {  	_ = 	snop  }
0x4: {  	_ = 	snop  }
0x5: {  	_ = 	snop  }
0x6: {  	_ = 	snop  }
0x7: {  	_ = 	snop  }
__scs_overlays_trampoline_lowered:
0x8: {  	[smem:$0x3FAD] =	sst s0  }
0x9: {  	[smem:$0x3FAE] =	sst s1  }
0xa: {  	[smem:$0x3FAF] =	sst s2  }
0xb: {  	[smem:$0x3FB0] =	sst s3  }
0xc: {  	[smem:$0x3FB1] =	sst s4  }
0xd: {  	[smem:$0x3FB2] =	sst s5  }
0xe: {  	[smem:$0x3FB3] =	sst s6  }
0xf: {  	[smem:$0x3FB4] =	sst s7  }
0x10: {  	[smem:$0x3FB5] =	sst s8  }
0x11: {  	[smem:$0x3FB6] =	sst s9;
	s0 =	simm.s32 @!p0 $0x0  }
0x12: {  	s1 =	sld [smem:$0x3F9C];
	s0 =	simm.s32 @p0 $0x1  }
0x13: {  	[smem:$0x3FB7] =	sst s0;
	s0 =	simm.s32 @!p1 $0x0  }
0x14: {  	s2 =	sld [smem:$0x3F9B];
	s0 =	simm.s32 @p1 $0x1  }
0x15: {  	[smem:$0x3FB8] =	sst s0;
	s0 =	simm.s32 @!p2 $0x0  }
0x16: {  	s3 =	sld [smem:$0x3FDB];
	s0 =	simm.s32 @p2 $0x1  }
0x17: {  	s4 =	simm.s32 $0x1BF5;
	[smem:$0x3FBA] =	sst s0  }
0x18: {  	s0 =	sld [smem:$0x3F9D];
	_ =	swait.ge [sflag:s4], $0x0  }
0x19: {  	s7 =	sld [smem:$0x3F9E]  }
0x1a: {  	s8 =	sadd.s32 $0xFFFFE003, lr  }
0x1b: {  	s9 =	sadd.s32 $0xFFFFFEF7, lr;
	s5 =	simm.s32 $0xFFFFFFFF;
	p2 =	slt.u32 s8, $0xFFFFF086  }
0x1c: {  	p1 =	slt.u32 s9, $0xF7A;
	s5 =	simm.s32 @!p2 $0x0  }
0x1d: {  	s5 =	simm.s32 @p1 $0x1;
	p0 =	seq.s32 s7, s2  }
0x1e: {  	s7 =	smul.u32 @!p0 $0xF7A, s2;
	p2 =	seq.s32 @!p0 s5, $0x0  }
0x1f: {  	s9 =	smul.u32 $0xF7A, s1;
	s8 =	simm.s32 @!p0 $0x1BF5;
	p2 =	por !p2, p0  }
0x20: {  	[sflag:s8] =	ssyncset.s32 @!p0 $0xFFFFF086;
	s6 =	sadd.s32 @!p0 s3, s7;
	s7 =	simm.s32 @!p0 $0x108  }
0x21: {  	s3 =	sadd.s32 s3, s9;
	s6 =	sadd.s32 @!p0 $0x88, s6;
	s7 =	simm.s32 @p2 $0x1082  }
0x22: {  	[simem:s7], [sflag:s8] =	dma.local @!p0 [hbm:s6], $0xF7A  }
0x23: {  	s9 =	sor.u32 $0xD0000000, s2;
	s6 =	simm.s32 $0x108;
	_ =	swait.ge @!p0 [sflag:s8], $0x0  }
0x24: {  	s3 =	sadd.s32 $0x88, s3;
	s6 =	simm.s32 @!p1 $0x1082;
	[sflag:s4] =	ssyncset.s32 $0xFFFFF086  }
0x25: {  	[simem:s6], [sflag:s4] =	dma.local [hbm:s3], $0xF7A  }
0x26: {  	[smem:$0x3F9E] =	sst s1;
	(tag) =	ssettag s2;
	_ =	strace s9  }
0x27: {  	s1 =	sld [smem:$0x3FAE]  }
0x28: {  	s2 =	sld [smem:$0x3FAF]  }
0x29: {  	s4 =	sld [smem:$0x3FB1]  }
0x2a: {  	p0 =	seq.s32 s5, $0x0;
	s5 =	sld [smem:$0x3FB2]  }
0x2b: {  	s6 =	sld [smem:$0x3FB3]  }
0x2c: {  	s7 =	sld [smem:$0x3FB4]  }
0x2d: {  	s3 =	simm.s32 $0x108;
	s8 =	sld [smem:$0x3FB5]  }
0x2e: {  	s3 =	simm.s32 @!p0 $0x1082;
	s9 =	sld [smem:$0x3FB6]  }
0x2f: {  	lr =	sadd.s32 s0, s3;
	s0 =	sld [smem:$0x3FAD]  }
0x30: {  	s3 =	sld [smem:$0x3FB0]  }
0x31: {  	[smem:$0x3FB9] =	sst s10  }
0x32: {  	s10 =	sld [smem:$0x3FB7];
	_ =	sdelay $0x3  }
0x33: {  	p0 =	seq.s32 s10, $0x1;
	s10 =	sld [smem:$0x3FB9];
	_ =	sdelay $0x3  }
0x34: {  	[smem:$0x3FB9] =	sst s10  }
0x35: {  	s10 =	sld [smem:$0x3FB8];
	_ =	sdelay $0x3  }
0x36: {  	p1 =	seq.s32 s10, $0x1;
	s10 =	sld [smem:$0x3FB9];
	_ =	sdelay $0x3  }
0x37: {  	[smem:$0x3FB9] =	sst s10  }
0x38: {  	s10 =	sld [smem:$0x3FBA]  }
0x39: {  	_ = 	snop;
	(pc) =	sbr.ind lr, $3  }
0x3a: {  	_ = 	snop  }
0x3b: {  	_ = 	snop  }
0x3c: {  	p2 =	seq.s32 s10, $0x1;
	s10 =	sld [smem:$0x3FB9]  }
0x3d: {  	_ =	shalt  }
0x3e: {  	_ =	shalt  }
0x3f: {  	_ =	shalt  }
0x40: {  	_ =	shalt  }
0x41: {  	_ =	shalt  }
0x42: {  	_ =	shalt  }
0x43: {  	_ =	shalt  }
0x44: {  	_ =	shalt  }
0x45: {  	_ =	shalt  }
0x46: {  	_ =	shalt  }
0x47: {  	_ =	shalt  }
0x48: {  	_ =	shalt  }
0x49: {  	_ =	shalt  }
0x4a: {  	_ =	shalt  }
0x4b: {  	_ =	shalt  }
0x4c: {  	_ =	shalt  }
0x4d: {  	_ =	shalt  }
0x4e: {  	_ =	shalt  }
0x4f: {  	_ =	shalt  }
0x50: {  	_ =	shalt  }
0x51: {  	_ =	shalt  }
0x52: {  	_ =	shalt  }
0x53: {  	_ =	shalt  }
0x54: {  	_ =	shalt  }
0x55: {  	_ =	shalt  }
0x56: {  	_ =	shalt  }
0x57: {  	_ =	shalt  }
0x58: {  	_ =	shalt  }
0x59: {  	_ =	shalt  }
0x5a: {  	_ =	shalt  }
0x5b: {  	_ =	shalt  }
0x5c: {  	_ =	shalt  }
0x5d: {  	_ =	shalt  }
0x5e: {  	_ =	shalt  }
0x5f: {  	_ =	shalt  }
0x60: {  	_ =	shalt  }
0x61: {  	_ =	shalt  }
0x62: {  	_ =	shalt  }
0x63: {  	_ =	shalt  }
0x64: {  	_ =	shalt  }
0x65: {  	_ =	shalt  }
0x66: {  	_ =	shalt  }
0x67: {  	_ =	shalt  }
0x68: {  	_ =	shalt  }
0x69: {  	_ =	shalt  }
0x6a: {  	_ =	shalt  }
0x6b: {  	_ =	shalt  }
0x6c: {  	_ =	shalt  }
0x6d: {  	_ =	shalt  }
0x6e: {  	_ =	shalt  }
0x6f: {  	_ =	shalt  }
0x70: {  	_ =	shalt  }
0x71: {  	_ =	shalt  }
0x72: {  	_ =	shalt  }
0x73: {  	_ =	shalt  }
0x74: {  	_ =	shalt  }
0x75: {  	_ =	shalt  }
0x76: {  	_ =	shalt  }
0x77: {  	_ =	shalt  }
0x78: {  	_ =	shalt  }
0x79: {  	_ =	shalt  }
0x7a: {  	_ =	shalt  }
0x7b: {  	_ =	shalt  }
0x7c: {  	_ =	shalt  }
0x7d: {  	_ =	shalt  }
0x7e: {  	_ =	shalt  }
0x7f: {  	_ =	shalt  }
0x80: {  	_ =	shalt  }
0x81: {  	_ =	shalt  }
0x82: {  	_ =	shalt  }
0x83: {  	_ =	shalt  }
0x84: {  	_ =	shalt  }
0x85: {  	_ =	shalt  }
0x86: {  	_ =	shalt  }
0x87: {  	_ =	shalt  }
.Lfunc_end0:
.L_simem_size_0:
called_computation_lowered:
.L_overlay_start_0:
0x88: {  	s2 =	sld [smem:$0x3FD9]  }
0x89: {  	s3 =	sld [smem:$0x3FFE];
	_ =	sdelay $0x1  }
0x8a: {  	s1 =	srdreg.scid  }
0x8b: {  	s0 =	sand.u32 $0x1, s1  }
0x8c: {  	s16 =	sshll.u32 s0, $0xA;
	s2 =	sadd.s32 s3, s2  }
0x8d: {  	s2 =	sadd.s32 s2, s16  }
0x8e: {  	[smem:$0x3FC5] =	sst s2  }
0x8f: {  	_ = 	snop  }
0x90: {  	(tm) =	ssettm $0x1  }
0x91: {  	s17 =	sld [smem:$0x3FFB];
	_ =	sdelay $0x3  }
0x92: {  	_ =	strace s17  }
0x93: {  	s2 =	sld [smem:$0x3FFC];
	_ =	sdelay $0x3  }
0x94: {  	_ =	strace s2  }
0x95: {  	s2 =	sld [smem:$0x3FFD];
	_ =	sdelay $0x3  }
0x96: {  	_ =	strace s2  }
0x97: {  	_ =	strace $0x8FFFFFFF  }
0x98: {  	s18 =	sld [smem:$0x3FDB];
	_ =	sdelay $0x1  }
0x99: {  	s19 =	simm.s32 $_scs_section_size  }
0x9a: {  	s4 =	simm.s32 $_size__tile_overlayer_lowered;
	s5 =	simm.s32 $_tile_overlayer_lowered  }
0x9b: {  	s22 =	simm.s32 $0x1BFF;
	s21 =	sshll.u32 s5, $0x1;
	s2 =	sadd.s32 s19, s18  }
0x9c: {  	s6 =	simm.s32 $0x0;
	s20 =	sshll.u32 s4, $0x1;
	s4 =	sadd.s32 s21, s2  }
0x9d: {  	[timem:s6], [sflag:s22] =	dma.local [hbm:s4], s20  }
0x9e: {  	_ =	swait.ge [sflag:s22], s20  }
0x9f: {  	s3 =	ssub.s32 $0x0, s20;
	[sflag:s22] =	ssyncset.done $0x0  }
0xa0: {  	[sflag:s22] =	ssyncadd.s32 s3;
	_ =	sdelay $0x1  }
0xa1: {  	s23 =	simm.s32 $0x1B8B  }
0xa2: {  	_ =	swait.ge [sflag:s23], $0x1  }
0xa3: {  	[sflag:s23] =	ssyncset.done $0x0  }
0xa4: {  	s25 =	simm.s32 $0x1B8E;
	s24 =	sld [smem:$0x3FFE];
	[sflag:s23] =	ssyncadd.s32 $0xFFFFFFFF  }
0xa5: {  	s26 =	simm.s32 $execute0_lowered;
	[smem:$0x3FD2] =	sst s25  }
0xa6: {  	s4 =	sshll.u32 s26, $0x1;
	_ =	strace $0x80000046;
	[dreg:$0x1] =	wrdreg $0xFFFFFFFF  }
0xa7: {  	s28 =	simm.s32 $_size_execute0_lowered;
	s2 =	sadd.s32 s2, s4;
	[dreg:$0x0] =	wrdreg $0x0  }
0xa8: {  	s4 =	sshll.u32 s28, $0x1;
	[dreg:$0x2] =	wrdreg s2  }
0xa9: {  	[dreg:$0x3] =	wrdreg s4  }
0xaa: {  	[dreg:$0x4] =	wrdreg $0xC0  }
0xab: {  	_ =	task [dreg:s6], $0x5FFFF  }
0xac: {  	[dreg:$0x1] =	wrdreg $0xFFFFFFFF  }
0xad: {  	[dreg:$0x0] =	wrdreg $0x60  }
0xae: {  	[dreg:$0x2] =	wrdreg s24  }
0xaf: {  	[dreg:$0x3] =	wrdreg $0x9  }
0xb0: {  	_ =	task.clear_ibuf [dreg:s6], $0x4FFFF;
	_ =	strace $0x90000046  }
0xb1: {  	s29 =	simm.s32 $0x9;
	_ =	strace $0x80000048  }
0xb2: {  	_ =	swait.ge [sflag:s29], $0x1  }
0xb3: {  	[sflag:s29] =	ssyncadd.s32 $0xFFFFFFFF  }
0xb4: {  	_ =	strace $0x90000048  }
0xb5: {  	_ =	sfence  }
0xb6: {  	s30 =	sld [smem:$0x0];
	_ =	sdelay $0x2  }
0xb7: {  	s31 =	sshll.u32 s1, $0xD;
	s1 =	sshrl.u32 s1, $0x2  }
0xb8: {  	s3 =	sand.u32 $0x4000, s31;
	s1 =	sadd.s32 s1, s30  }
0xb9: {  	s0 =	sor.u32 s3, s0;
	s1 =	sshll.u32 s1, $0x11  }
0xba: {  	s0 =	sor.u32 s1, s0  }
0xbb: {  	s0 =	sadd.s32 $0x8F2B, s0  }
0xbc: {  	[sflag:s0] =	ssyncadd.remote.s32 $0x1  }
0xbd: {  	_ =	sfence.sel $0xFFFF  }
0xbe: {  	[dreg:$0x0] =	wrdreg $0xFFFFFFFF;
	(pc) =	sbr.abs _section_cstart, $3  }
0xbf: {  	[dreg:$0x1] =	wrdreg $0xFFFFFFFF  }
0xc0: {  	_ =	task.clear_ibuf [dreg:s6], $0x2FFFF;
	_ =	strace $0x9FFFFFFF  }
0xc1: {  	(tm) =	ssettm $0x7FFFFFFF  }
tec
execute0_lowered:
.L_overlay_start_1:
0x0: {  	(tag) =	ssettag $0x1  }
0x1: {  	s1 =	srdreg.scid;
	s0 =	stileid.u32  }
0x2: {  	s1 =	sand.u32 $0x1, s1;
	s2 =	sshll.u32 s0, $0x1  }
0x3: {  	s5 =	rddreg [dreg:$0x0];
	s3 =	sor.u32 s1, s2  }
0x4: {  	[dreg:$0x7] =	wrdreg s1;
	s2 =	simm.s32 $0x0;
	s30 =	smul.u32 $0x1900, s3  }
0x5: {  	[smem:$0x7FF] =	sst s2;
	s3 =	smul.u32 $0x19000, s3  }
0x6: {  	s29 =	sadd.s32 $0x400, s5;
	s31 =	sadd.s32 $0x68400, s5;
	_ =	strace $0x80000047  }
0x7: {  	s4 =	sshrl.u32 s30, $0x3;
	s13 =	sadd.s32 $0x280, s30;
	s3 =	sadd.s32 s31, s3  }
0x8: {  	s4 =	sadd.s32 s29, s4;
	s6 =	sshrl.u32 s13, $0x3;
	[dreg:$0x4] =	wrdreg s3  }
0x9: {  	s16 =	sadd.s32 $0x500, s30;
	[dreg:$0x2] =	wrdreg s4;
	s20 =	sadd.s32 s29, s6  }
0xa: {  	s22 =	sshrl.u32 s16, $0x3;
	[dreg:$0x3] =	wrdreg s20  }
0xb: {  	s3 =	sadd.s32 s29, s22;
	s21 =	rddreg [dreg:$0x2]  }
0xc: {  	[dreg:$0x5] =	wrdreg s3  }
0xd: {  	[tilespmem:s2], [sflag:$0x1] =	stream.linear.gather [hbm4b:s21+s2], $0x280, $0x38;
	[tilespmem:$0xA500] =	vst v63  }
0xe: {  	s4 =	simm.s32 $0x1;
	s3 =	simm.s32 $0x280;
	s23 =	rddreg [dreg:$0x3]  }
0xf: {  	[tilespmem:s3], [sflag:$0x2] =	stream.linear.gather [hbm4b:s23+s2], $0x280, $0x38;
	[tilespmem:$0xA500] =	vst v63  }
0x10: {  	_ =	swait.ge [sflag:s4], $0x280  }
0x11: {  	s7 =	simm.s32 $0x3;
	[sflag:s4] =	ssyncset.done $0x0  }
0x12: {  	s5 =	sadd.s32 $0x6800, s5;
	s6 =	simm.s32 $0x500;
	[sflag:s4] =	ssyncadd.s32 $0xFFFFFD80  }
0x13: {  	[tilespmem:s6], [sflag:$0x3] =	stream.indirect.gather [hbm4b:s5+s3], $0x20, s2, s3, $0xb8;
	[tilespmem:$0xA500] =	vst v63  }
0x14: {  	_ =	swait.ge [sflag:s7], $0x5000  }
0x15: {  	s8 =	simm.s32 $0x20;
	[sflag:s7] =	ssyncset.done $0x0  }
0x16: {  	s9 =	simm.s32 $0x80;
	s10 =	rddreg [dreg:$0x4];
	[sflag:s7] =	ssyncadd.s32 $0xFFFFB000  }
0x17: {  	[hbm4b:s10+s8] =	stream.strided.scatter [tilespmem:s6], [sflag:$0x5], $0x5000, s9, s8, $0x38;
	[tilespmem:$0xA500] =	vst v63  }
0x18: {  	s11 =	rddreg [dreg:$0x5];
	s10 =	simm.s32 $0x2  }
0x19: {  	[tilespmem:s2], [sflag:$0x1] =	stream.linear.gather [hbm4b:s11+s2], $0x280, $0x38;
	[tilespmem:$0xA500] =	vst v63  }
0x1a: {  	_ =	swait.ge [sflag:s10], $0x280  }
0x1b: {  	[sflag:s10] =	ssyncset.done $0x0  }
0x1c: {  	s12 =	simm.s32 $0x4;
	s11 =	simm.s32 $0x5500;
	[sflag:s10] =	ssyncadd.s32 $0xFFFFFD80  }
0x1d: {  	[tilespmem:s11], [sflag:$0x4] =	stream.indirect.gather [hbm4b:s5+s3], $0x20, s3, s3, $0xb8;
	[tilespmem:$0xA500] =	vst v63  }
0x1e: {  	_ =	swait.ge [sflag:s12], $0x5000  }
0x1f: {  	s19 =	sadd.s32 $0x780, s30;
	s13 =	sshll.u32 s13, $0x4;
	[sflag:s12] =	ssyncset.done $0x0  }
0x20: {  	s25 =	sshrl.u32 s19, $0x3;
	s24 =	sadd.s32 s31, s13;
	[sflag:s12] =	ssyncadd.s32 $0xFFFFB000  }
0x21: {  	[hbm4b:s24+s8] =	stream.strided.scatter [tilespmem:s11], [sflag:$0x6], $0x5000, s9, s8, $0x38;
	[tilespmem:$0xA500] =	vst v63  }
0x22: {  	s15 =	simm.s32 $0x5;
	s26 =	sadd.s32 s29, s25;
	[dreg:$0x6] =	wrdreg s24  }
0x23: {  	[tilespmem:s3], [sflag:$0x2] =	stream.linear.gather [hbm4b:s26+s2], $0x280, $0x38;
	[tilespmem:$0xA500] =	vst v63  }
0x24: {  	_ =	swait.ge [sflag:s15], $0x5000  }
0x25: {  	[sflag:s15] =	ssyncset.done $0x0  }
0x26: {  	[sflag:s15] =	ssyncadd.s32 $0xFFFFB000  }
0x27: {  	_ =	swait.ge [sflag:s4], $0x280  }
0x28: {  	[sflag:s4] =	ssyncset.done $0x0  }
0x29: {  	[sflag:s4] =	ssyncadd.s32 $0xFFFFFD80  }
0x2a: {  	[tilespmem:s6], [sflag:$0x3] =	stream.indirect.gather [hbm4b:s5+s3], $0x20, s2, s3, $0xb8;
	[tilespmem:$0xA500] =	vst v63  }
0x2b: {  	_ =	swait.ge [sflag:s7], $0x5000  }
0x2c: {  	s16 =	sshll.u32 s16, $0x4;
	s21 =	sadd.s32 $0xA00, s30;
	[sflag:s7] =	ssyncset.done $0x0  }
0x2d: {  	s16 =	sadd.s32 s31, s16;
	s17 =	sshrl.u32 s21, $0x3;
	[sflag:s7] =	ssyncadd.s32 $0xFFFFB000  }
0x2e: {  	[hbm4b:s16+s8] =	stream.strided.scatter [tilespmem:s6], [sflag:$0x5], $0x5000, s9, s8, $0x38;
	[tilespmem:$0xA500] =	vst v63  }
0x2f: {  	s18 =	sadd.s32 s29, s17;
	s17 =	simm.s32 $0x6  }
0x30: {  	[tilespmem:s2], [sflag:$0x1] =	stream.linear.gather [hbm4b:s18+s2], $0x280, $0x38;
	[tilespmem:$0xA500] =	vst v63  }
0x31: {  	_ =	swait.ge [sflag:s17], $0x5000  }
0x32: {  	[sflag:s17] =	ssyncset.done $0x0  }
0x33: {  	[sflag:s17] =	ssyncadd.s32 $0xFFFFB000  }
0x34: {  	_ =	swait.ge [sflag:s10], $0x280  }
0x35: {  	[sflag:s10] =	ssyncset.done $0x0  }
0x36: {  	[sflag:s10] =	ssyncadd.s32 $0xFFFFFD80  }
0x37: {  	[tilespmem:s11], [sflag:$0x4] =	stream.indirect.gather [hbm4b:s5+s3], $0x20, s3, s3, $0xb8;
	[tilespmem:$0xA500] =	vst v63  }
0x38: {  	_ =	swait.ge [sflag:s12], $0x5000  }
0x39: {  	s19 =	sshll.u32 s19, $0x4;
	s23 =	sadd.s32 $0xC80, s30;
	[sflag:s12] =	ssyncset.done $0x0  }
0x3a: {  	s19 =	sadd.s32 s31, s19;
	s20 =	sshrl.u32 s23, $0x3;
	[sflag:s12] =	ssyncadd.s32 $0xFFFFB000  }
0x3b: {  	[hbm4b:s19+s8] =	stream.strided.scatter [tilespmem:s11], [sflag:$0x6], $0x5000, s9, s8, $0x38;
	[tilespmem:$0xA500] =	vst v63  }
0x3c: {  	s20 =	sadd.s32 s29, s20  }
0x3d: {  	[tilespmem:s3], [sflag:$0x2] =	stream.linear.gather [hbm4b:s20+s2], $0x280, $0x38;
	[tilespmem:$0xA500] =	vst v63  }
0x3e: {  	_ =	swait.ge [sflag:s15], $0x5000  }
0x3f: {  	[sflag:s15] =	ssyncset.done $0x0  }
0x40: {  	[sflag:s15] =	ssyncadd.s32 $0xFFFFB000  }
0x41: {  	_ =	swait.ge [sflag:s4], $0x280  }
0x42: {  	[sflag:s4] =	ssyncset.done $0x0  }
0x43: {  	[sflag:s4] =	ssyncadd.s32 $0xFFFFFD80  }
0x44: {  	[tilespmem:s6], [sflag:$0x3] =	stream.indirect.gather [hbm4b:s5+s3], $0x20, s2, s3, $0xb8;
	[tilespmem:$0xA500] =	vst v63  }
0x45: {  	_ =	swait.ge [sflag:s7], $0x5000  }
0x46: {  	s25 =	sadd.s32 $0xF00, s30;
	s21 =	sshll.u32 s21, $0x4;
	[sflag:s7] =	ssyncset.done $0x0  }
0x47: {  	s22 =	sshrl.u32 s25, $0x3;
	s21 =	sadd.s32 s31, s21;
	[sflag:s7] =	ssyncadd.s32 $0xFFFFB000  }
0x48: {  	[hbm4b:s21+s8] =	stream.strided.scatter [tilespmem:s6], [sflag:$0x5], $0x5000, s9, s8, $0x38;
	[tilespmem:$0xA500] =	vst v63  }
0x49: {  	s22 =	sadd.s32 s29, s22  }
0x4a: {  	[tilespmem:s2], [sflag:$0x1] =	stream.linear.gather [hbm4b:s22+s2], $0x280, $0x38;
	[tilespmem:$0xA500] =	vst v63  }
0x4b: {  	_ =	swait.ge [sflag:s17], $0x5000  }
0x4c: {  	[sflag:s17] =	ssyncset.done $0x0  }
0x4d: {  	[sflag:s17] =	ssyncadd.s32 $0xFFFFB000  }
0x4e: {  	_ =	swait.ge [sflag:s10], $0x280  }
0x4f: {  	[sflag:s10] =	ssyncset.done $0x0  }
0x50: {  	[sflag:s10] =	ssyncadd.s32 $0xFFFFFD80  }
0x51: {  	[tilespmem:s11], [sflag:$0x4] =	stream.indirect.gather [hbm4b:s5+s3], $0x20, s3, s3, $0xb8;
	[tilespmem:$0xA500] =	vst v63  }
0x52: {  	_ =	swait.ge [sflag:s12], $0x5000  }
0x53: {  	s28 =	sadd.s32 $0x1180, s30;
	s23 =	sshll.u32 s23, $0x4;
	[sflag:s12] =	ssyncset.done $0x0  }
0x54: {  	s23 =	sadd.s32 s31, s23;
	s24 =	sshrl.u32 s28, $0x3;
	[sflag:s12] =	ssyncadd.s32 $0xFFFFB000  }
0x55: {  	[hbm4b:s23+s8] =	stream.strided.scatter [tilespmem:s11], [sflag:$0x6], $0x5000, s9, s8, $0x38;
	[tilespmem:$0xA500] =	vst v63  }
0x56: {  	s24 =	sadd.s32 s29, s24  }
0x57: {  	[tilespmem:s3], [sflag:$0x2] =	stream.linear.gather [hbm4b:s24+s2], $0x280, $0x38;
	[tilespmem:$0xA500] =	vst v63  }
0x58: {  	_ =	swait.ge [sflag:s15], $0x5000  }
0x59: {  	[sflag:s15] =	ssyncset.done $0x0  }
0x5a: {  	[sflag:s15] =	ssyncadd.s32 $0xFFFFB000  }
0x5b: {  	_ =	swait.ge [sflag:s4], $0x280  }
0x5c: {  	[sflag:s4] =	ssyncset.done $0x0  }
0x5d: {  	[sflag:s4] =	ssyncadd.s32 $0xFFFFFD80  }
0x5e: {  	[tilespmem:s6], [sflag:$0x3] =	stream.indirect.gather [hbm4b:s5+s3], $0x20, s2, s3, $0xb8;
	[tilespmem:$0xA500] =	vst v63  }
0x5f: {  	s0 =	sadd.s32 $0x1400, s30;
	_ =	swait.ge [sflag:s7], $0x5000  }
0x60: {  	s14 =	smov.u32 s26;
	s25 =	sshll.u32 s25, $0x4;
	[sflag:s7] =	ssyncset.done $0x0  }
0x61: {  	s25 =	sadd.s32 s31, s25;
	s26 =	sshrl.u32 s0, $0x3;
	[sflag:s7] =	ssyncadd.s32 $0xFFFFB000  }
0x62: {  	[hbm4b:s25+s8] =	stream.strided.scatter [tilespmem:s6], [sflag:$0x5], $0x5000, s9, s8, $0x38;
	[tilespmem:$0xA500] =	vst v63  }
0x63: {  	s26 =	sadd.s32 s29, s26  }
0x64: {  	[tilespmem:s2], [sflag:$0x1] =	stream.linear.gather [hbm4b:s26+s2], $0x280, $0x38;
	[tilespmem:$0xA500] =	vst v63  }
0x65: {  	_ =	swait.ge [sflag:s17], $0x5000  }
0x66: {  	[sflag:s17] =	ssyncset.done $0x0  }
0x67: {  	[sflag:s17] =	ssyncadd.s32 $0xFFFFB000  }
0x68: {  	_ =	swait.ge [sflag:s10], $0x280  }
0x69: {  	[sflag:s10] =	ssyncset.done $0x0  }
0x6a: {  	[sflag:s10] =	ssyncadd.s32 $0xFFFFFD80  }
0x6b: {  	[tilespmem:s11], [sflag:$0x4] =	stream.indirect.gather [hbm4b:s5+s3], $0x20, s3, s3, $0xb8;
	[tilespmem:$0xA500] =	vst v63  }
0x6c: {  	_ =	swait.ge [sflag:s12], $0x5000  }
0x6d: {  	s13 =	sadd.s32 $0x1680, s30;
	s28 =	sshll.u32 s28, $0x4;
	[sflag:s12] =	ssyncset.done $0x0  }
0x6e: {  	s30 =	sshrl.u32 s13, $0x3;
	s28 =	sadd.s32 s31, s28;
	[sflag:s12] =	ssyncadd.s32 $0xFFFFB000  }
0x6f: {  	[hbm4b:s28+s8] =	stream.strided.scatter [tilespmem:s11], [sflag:$0x6], $0x5000, s9, s8, $0x38;
	[tilespmem:$0xA500] =	vst v63  }
0x70: {  	s29 =	sadd.s32 s29, s30  }
0x71: {  	[tilespmem:s3], [sflag:$0x2] =	stream.linear.gather [hbm4b:s29+s2], $0x280, $0x38;
	[tilespmem:$0xA500] =	vst v63  }
0x72: {  	_ =	swait.ge [sflag:s15], $0x5000  }
0x73: {  	[sflag:s15] =	ssyncset.done $0x0  }
0x74: {  	[sflag:s15] =	ssyncadd.s32 $0xFFFFB000  }
0x75: {  	_ =	swait.ge [sflag:s4], $0x280  }
0x76: {  	[sflag:s4] =	ssyncset.done $0x0  }
0x77: {  	[sflag:s4] =	ssyncadd.s32 $0xFFFFFD80  }
0x78: {  	[tilespmem:s6], [sflag:$0x3] =	stream.indirect.gather [hbm4b:s5+s3], $0x20, s2, s3, $0xb8;
	[tilespmem:$0xA500] =	vst v63  }
0x79: {  	_ =	swait.ge [sflag:s7], $0x5000  }
0x7a: {  	s1 =	sshll.u32 s0, $0x4;
	[sflag:s7] =	ssyncset.done $0x0  }
0x7b: {  	s30 =	sadd.s32 s31, s1;
	[sflag:s7] =	ssyncadd.s32 $0xFFFFB000  }
0x7c: {  	[hbm4b:s30+s8] =	stream.strided.scatter [tilespmem:s6], [sflag:$0x5], $0x5000, s9, s8, $0x38;
	[tilespmem:$0xA500] =	vst v63  }
0x7d: {  	_ =	swait.ge [sflag:s17], $0x5000  }
0x7e: {  	[sflag:s17] =	ssyncset.done $0x0  }
0x7f: {  	[sflag:s17] =	ssyncadd.s32 $0xFFFFB000  }
0x80: {  	_ =	swait.ge [sflag:s10], $0x280  }
0x81: {  	[sflag:s10] =	ssyncset.done $0x0  }
0x82: {  	[sflag:s10] =	ssyncadd.s32 $0xFFFFFD80  }
0x83: {  	[tilespmem:s11], [sflag:$0x4] =	stream.indirect.gather [hbm4b:s5+s3], $0x20, s3, s3, $0xb8;
	[tilespmem:$0xA500] =	vst v63  }
0x84: {  	_ =	swait.ge [sflag:s12], $0x5000  }
0x85: {  	s0 =	sshll.u32 s13, $0x4;
	[sflag:s12] =	ssyncset.done $0x0;
	s1 =	rddreg [dreg:$0x7]  }
0x86: {  	s31 =	sadd.s32 s31, s0;
	s0 =	ssub.s32 $0x2, s1;
	[sflag:s12] =	ssyncadd.s32 $0xFFFFB000  }
0x87: {  	[hbm4b:s31+s8] =	stream.strided.scatter [tilespmem:s11], [sflag:$0x6], $0x5000, s9, s8, $0x38;
	[tilespmem:$0xA500] =	vst v63  }
0x88: {  	s13 =	sshrl.u32 s0, $0x1  }
0x89: {  	s0 =	ssub.s32 s0, s13  }
0x8a: {  	s0 =	smax.u32 s0, $0x1  }
0x8b: {  	p0 =	sne.s32 s0, $0x1  }
.Ltmp0:
0x8c: {  	_ =	swait.ge [sflag:s15], $0x5000;
	(pc) =	sbr.rel @!p0 .LBB2_2-.Ltmp0, $4  }
0x8d: {  	[sflag:s15] =	ssyncset.done $0x0  }
0x8e: {  	[sflag:s15] =	ssyncadd.s32 $0xFFFFB000  }
0x8f: {  	_ =	swait.ge [sflag:s17], $0x5000  }
0x90: {  	s1 =	sadd.s32 $0xFFFFFFFF, s0;
	[sflag:s17] =	ssyncset.done $0x0  }
.LBB2_1:
0x91: {  	s0 =	rddreg [dreg:$0x2];
	[sflag:s17] =	ssyncadd.s32 $0xFFFFB000  }
0x92: {  	[tilespmem:s2], [sflag:$0x1] =	stream.linear.gather [hbm4b:s0+s2], $0x280, $0x38;
	[tilespmem:$0xA500] =	vst v63  }
0x93: {  	s13 =	rddreg [dreg:$0x3]  }
0x94: {  	[tilespmem:s3], [sflag:$0x2] =	stream.linear.gather [hbm4b:s13+s2], $0x280, $0x38;
	[tilespmem:$0xA500] =	vst v63  }
0x95: {  	_ =	swait.ge [sflag:s4], $0x280  }
0x96: {  	[sflag:s4] =	ssyncset.done $0x0  }
0x97: {  	[sflag:s4] =	ssyncadd.s32 $0xFFFFFD80  }
0x98: {  	[tilespmem:s6], [sflag:$0x3] =	stream.indirect.gather [hbm4b:s5+s3], $0x20, s2, s3, $0xb8;
	[tilespmem:$0xA500] =	vst v63  }
0x99: {  	_ =	swait.ge [sflag:s7], $0x5000  }
0x9a: {  	[sflag:s7] =	ssyncset.done $0x0  }
0x9b: {  	s0 =	rddreg [dreg:$0x4];
	[sflag:s7] =	ssyncadd.s32 $0xFFFFB000  }
0x9c: {  	[hbm4b:s0+s8] =	stream.strided.scatter [tilespmem:s6], [sflag:$0x5], $0x5000, s9, s8, $0x38;
	[tilespmem:$0xA500] =	vst v63  }
0x9d: {  	s13 =	rddreg [dreg:$0x5]  }
0x9e: {  	[tilespmem:s2], [sflag:$0x1] =	stream.linear.gather [hbm4b:s13+s2], $0x280, $0x38;
	[tilespmem:$0xA500] =	vst v63  }
0x9f: {  	_ =	swait.ge [sflag:s10], $0x280  }
0xa0: {  	[sflag:s10] =	ssyncset.done $0x0  }
0xa1: {  	[sflag:s10] =	ssyncadd.s32 $0xFFFFFD80  }
0xa2: {  	[tilespmem:s11], [sflag:$0x4] =	stream.indirect.gather [hbm4b:s5+s3], $0x20, s3, s3, $0xb8;
	[tilespmem:$0xA500] =	vst v63  }
0xa3: {  	_ =	swait.ge [sflag:s12], $0x5000  }
0xa4: {  	[sflag:s12] =	ssyncset.done $0x0  }
0xa5: {  	s13 =	rddreg [dreg:$0x6];
	[sflag:s12] =	ssyncadd.s32 $0xFFFFB000  }
0xa6: {  	[hbm4b:s13+s8] =	stream.strided.scatter [tilespmem:s11], [sflag:$0x6], $0x5000, s9, s8, $0x38;
	[tilespmem:$0xA500] =	vst v63  }
0xa7: {  	_ = 	snop  }
0xa8: {  	[tilespmem:s3], [sflag:$0x2] =	stream.linear.gather [hbm4b:s14+s2], $0x280, $0x38;
	[tilespmem:$0xA500] =	vst v63  }
0xa9: {  	_ =	swait.ge [sflag:s15], $0x5000  }
0xaa: {  	[sflag:s15] =	ssyncset.done $0x0  }
0xab: {  	[sflag:s15] =	ssyncadd.s32 $0xFFFFB000  }
0xac: {  	_ =	swait.ge [sflag:s4], $0x280  }
0xad: {  	[sflag:s4] =	ssyncset.done $0x0  }
0xae: {  	[sflag:s4] =	ssyncadd.s32 $0xFFFFFD80  }
0xaf: {  	[tilespmem:s6], [sflag:$0x3] =	stream.indirect.gather [hbm4b:s5+s3], $0x20, s2, s3, $0xb8;
	[tilespmem:$0xA500] =	vst v63  }
0xb0: {  	_ =	swait.ge [sflag:s7], $0x5000  }
0xb1: {  	[sflag:s7] =	ssyncset.done $0x0  }
0xb2: {  	[sflag:s7] =	ssyncadd.s32 $0xFFFFB000  }
0xb3: {  	[hbm4b:s16+s8] =	stream.strided.scatter [tilespmem:s6], [sflag:$0x5], $0x5000, s9, s8, $0x38;
	[tilespmem:$0xA500] =	vst v63  }
0xb4: {  	_ = 	snop  }
0xb5: {  	[tilespmem:s2], [sflag:$0x1] =	stream.linear.gather [hbm4b:s18+s2], $0x280, $0x38;
	[tilespmem:$0xA500] =	vst v63  }
0xb6: {  	_ =	swait.ge [sflag:s17], $0x5000  }
0xb7: {  	[sflag:s17] =	ssyncset.done $0x0  }
0xb8: {  	[sflag:s17] =	ssyncadd.s32 $0xFFFFB000  }
0xb9: {  	_ =	swait.ge [sflag:s10], $0x280  }
0xba: {  	[sflag:s10] =	ssyncset.done $0x0  }
0xbb: {  	[sflag:s10] =	ssyncadd.s32 $0xFFFFFD80  }
0xbc: {  	[tilespmem:s11], [sflag:$0x4] =	stream.indirect.gather [hbm4b:s5+s3], $0x20, s3, s3, $0xb8;
	[tilespmem:$0xA500] =	vst v63  }
0xbd: {  	_ =	swait.ge [sflag:s12], $0x5000  }
0xbe: {  	[sflag:s12] =	ssyncset.done $0x0  }
0xbf: {  	[sflag:s12] =	ssyncadd.s32 $0xFFFFB000  }
0xc0: {  	[hbm4b:s19+s8] =	stream.strided.scatter [tilespmem:s11], [sflag:$0x6], $0x5000, s9, s8, $0x38;
	[tilespmem:$0xA500] =	vst v63  }
0xc1: {  	_ = 	snop  }
0xc2: {  	[tilespmem:s3], [sflag:$0x2] =	stream.linear.gather [hbm4b:s20+s2], $0x280, $0x38;
	[tilespmem:$0xA500] =	vst v63  }
0xc3: {  	_ =	swait.ge [sflag:s15], $0x5000  }
0xc4: {  	[sflag:s15] =	ssyncset.done $0x0  }
0xc5: {  	[sflag:s15] =	ssyncadd.s32 $0xFFFFB000  }
0xc6: {  	_ =	swait.ge [sflag:s4], $0x280  }
0xc7: {  	[sflag:s4] =	ssyncset.done $0x0  }
0xc8: {  	[sflag:s4] =	ssyncadd.s32 $0xFFFFFD80  }
0xc9: {  	[tilespmem:s6], [sflag:$0x3] =	stream.indirect.gather [hbm4b:s5+s3], $0x20, s2, s3, $0xb8;
	[tilespmem:$0xA500] =	vst v63  }
0xca: {  	_ =	swait.ge [sflag:s7], $0x5000  }
0xcb: {  	[sflag:s7] =	ssyncset.done $0x0  }
0xcc: {  	[sflag:s7] =	ssyncadd.s32 $0xFFFFB000  }
0xcd: {  	[hbm4b:s21+s8] =	stream.strided.scatter [tilespmem:s6], [sflag:$0x5], $0x5000, s9, s8, $0x38;
	[tilespmem:$0xA500] =	vst v63  }
0xce: {  	_ = 	snop  }
0xcf: {  	[tilespmem:s2], [sflag:$0x1] =	stream.linear.gather [hbm4b:s22+s2], $0x280, $0x38;
	[tilespmem:$0xA500] =	vst v63  }
0xd0: {  	_ =	swait.ge [sflag:s17], $0x5000  }
0xd1: {  	[sflag:s17] =	ssyncset.done $0x0  }
0xd2: {  	[sflag:s17] =	ssyncadd.s32 $0xFFFFB000  }
0xd3: {  	_ =	swait.ge [sflag:s10], $0x280  }
0xd4: {  	[sflag:s10] =	ssyncset.done $0x0  }
0xd5: {  	[sflag:s10] =	ssyncadd.s32 $0xFFFFFD80  }
0xd6: {  	[tilespmem:s11], [sflag:$0x4] =	stream.indirect.gather [hbm4b:s5+s3], $0x20, s3, s3, $0xb8;
	[tilespmem:$0xA500] =	vst v63  }
0xd7: {  	_ =	swait.ge [sflag:s12], $0x5000  }
0xd8: {  	[sflag:s12] =	ssyncset.done $0x0  }
0xd9: {  	[sflag:s12] =	ssyncadd.s32 $0xFFFFB000  }
0xda: {  	[hbm4b:s23+s8] =	stream.strided.scatter [tilespmem:s11], [sflag:$0x6], $0x5000, s9, s8, $0x38;
	[tilespmem:$0xA500] =	vst v63  }
0xdb: {  	_ = 	snop  }
0xdc: {  	[tilespmem:s3], [sflag:$0x2] =	stream.linear.gather [hbm4b:s24+s2], $0x280, $0x38;
	[tilespmem:$0xA500] =	vst v63  }
0xdd: {  	_ =	swait.ge [sflag:s15], $0x5000  }
0xde: {  	[sflag:s15] =	ssyncset.done $0x0  }
0xdf: {  	[sflag:s15] =	ssyncadd.s32 $0xFFFFB000  }
0xe0: {  	_ =	swait.ge [sflag:s4], $0x280  }
0xe1: {  	[sflag:s4] =	ssyncset.done $0x0  }
0xe2: {  	[sflag:s4] =	ssyncadd.s32 $0xFFFFFD80  }
0xe3: {  	[tilespmem:s6], [sflag:$0x3] =	stream.indirect.gather [hbm4b:s5+s3], $0x20, s2, s3, $0xb8;
	[tilespmem:$0xA500] =	vst v63  }
0xe4: {  	_ =	swait.ge [sflag:s7], $0x5000  }
0xe5: {  	[sflag:s7] =	ssyncset.done $0x0  }
0xe6: {  	[sflag:s7] =	ssyncadd.s32 $0xFFFFB000  }
0xe7: {  	[hbm4b:s25+s8] =	stream.strided.scatter [tilespmem:s6], [sflag:$0x5], $0x5000, s9, s8, $0x38;
	[tilespmem:$0xA500] =	vst v63  }
0xe8: {  	_ = 	snop  }
0xe9: {  	[tilespmem:s2], [sflag:$0x1] =	stream.linear.gather [hbm4b:s26+s2], $0x280, $0x38;
	[tilespmem:$0xA500] =	vst v63  }
0xea: {  	_ =	swait.ge [sflag:s17], $0x5000  }
0xeb: {  	[sflag:s17] =	ssyncset.done $0x0  }
0xec: {  	[sflag:s17] =	ssyncadd.s32 $0xFFFFB000  }
0xed: {  	_ =	swait.ge [sflag:s10], $0x280  }
0xee: {  	[sflag:s10] =	ssyncset.done $0x0  }
0xef: {  	[sflag:s10] =	ssyncadd.s32 $0xFFFFFD80  }
0xf0: {  	[tilespmem:s11], [sflag:$0x4] =	stream.indirect.gather [hbm4b:s5+s3], $0x20, s3, s3, $0xb8;
	[tilespmem:$0xA500] =	vst v63  }
0xf1: {  	_ =	swait.ge [sflag:s12], $0x5000  }
0xf2: {  	[sflag:s12] =	ssyncset.done $0x0  }
0xf3: {  	[sflag:s12] =	ssyncadd.s32 $0xFFFFB000  }
0xf4: {  	[hbm4b:s28+s8] =	stream.strided.scatter [tilespmem:s11], [sflag:$0x6], $0x5000, s9, s8, $0x38;
	[tilespmem:$0xA500] =	vst v63  }
0xf5: {  	_ = 	snop  }
0xf6: {  	[tilespmem:s3], [sflag:$0x2] =	stream.linear.gather [hbm4b:s29+s2], $0x280, $0x38;
	[tilespmem:$0xA500] =	vst v63  }
0xf7: {  	_ =	swait.ge [sflag:s15], $0x5000  }
0xf8: {  	[sflag:s15] =	ssyncset.done $0x0  }
0xf9: {  	[sflag:s15] =	ssyncadd.s32 $0xFFFFB000  }
0xfa: {  	_ =	swait.ge [sflag:s4], $0x280  }
0xfb: {  	[sflag:s4] =	ssyncset.done $0x0  }
0xfc: {  	[sflag:s4] =	ssyncadd.s32 $0xFFFFFD80  }
0xfd: {  	[tilespmem:s6], [sflag:$0x3] =	stream.indirect.gather [hbm4b:s5+s3], $0x20, s2, s3, $0xb8;
	[tilespmem:$0xA500] =	vst v63  }
0xfe: {  	_ =	swait.ge [sflag:s7], $0x5000  }
0xff: {  	[sflag:s7] =	ssyncset.done $0x0  }
0x100: {  	[sflag:s7] =	ssyncadd.s32 $0xFFFFB000  }
0x101: {  	[hbm4b:s30+s8] =	stream.strided.scatter [tilespmem:s6], [sflag:$0x5], $0x5000, s9, s8, $0x38;
	[tilespmem:$0xA500] =	vst v63  }
0x102: {  	_ =	swait.ge [sflag:s17], $0x5000  }
0x103: {  	[sflag:s17] =	ssyncset.done $0x0  }
0x104: {  	[sflag:s17] =	ssyncadd.s32 $0xFFFFB000  }
0x105: {  	_ =	swait.ge [sflag:s10], $0x280  }
0x106: {  	[sflag:s10] =	ssyncset.done $0x0  }
0x107: {  	[sflag:s10] =	ssyncadd.s32 $0xFFFFFD80  }
0x108: {  	[tilespmem:s11], [sflag:$0x4] =	stream.indirect.gather [hbm4b:s5+s3], $0x20, s3, s3, $0xb8;
	[tilespmem:$0xA500] =	vst v63  }
0x109: {  	_ =	swait.ge [sflag:s12], $0x5000  }
0x10a: {  	[sflag:s12] =	ssyncset.done $0x0  }
0x10b: {  	p0 =	sne.s32 s1, $0x1;
	[sflag:s12] =	ssyncadd.s32 $0xFFFFB000  }
0x10c: {  	[hbm4b:s31+s8] =	stream.strided.scatter [tilespmem:s11], [sflag:$0x6], $0x5000, s9, s8, $0x38;
	[tilespmem:$0xA500] =	vst v63  }
.Ltmp1:
0x10d: {  	_ =	swait.ge [sflag:s15], $0x5000;
	(pc) =	sbr.rel @p0 .LBB2_1-.Ltmp1, $4  }
0x10e: {  	[sflag:s15] =	ssyncset.done $0x0  }
0x10f: {  	[sflag:s15] =	ssyncadd.s32 $0xFFFFB000  }
0x110: {  	_ =	swait.ge [sflag:s17], $0x5000  }
0x111: {  	s1 =	sadd.s32 $0xFFFFFFFF, s1;
	[sflag:s17] =	ssyncset.done $0x0  }
.LBB2_2:
0x112: {  	[sflag:s17] =	ssyncadd.s32 $0xFFFFB000  }
0x113: {  	_ =	sfence.sel $0x180000  }
0x114: {  	[bflag:$0x0] =	sbarrier.arrive $0xFFFF  }
0x115: {  	_ =	strace $0x90000047  }
0x116: {  	s0 =	stileid.u32;
	[bflag:$0x2] =	sbarrier.arrive $0xFFFF  }
0x117: {  	p0 =	sne.s32 s0, $0x0;
	s0 =	rddreg [dreg:$0x1]  }
0x118: {  	s0 =	sadd.s32 @!p0 $0x100000, s0  }
0x119: {  	[sflag:s0] =	ssyncadd.tile.s32 @!p0 $0x1;
	_ =	shalt  }
.Lfunc_end2:
_tile_overlayer_lowered:
.L_overlay_start_2:
0x11a: {  	(tag) =	ssettag $0x2  }
0x11b: {  	s0 =	rddreg [dreg:$0x0];
	s2 =	stileid.u32  }
0x11c: {  	s1 =	rddreg [dreg:$0x1];
	p0 =	sne.s32 s2, $0x0  }
0x11d: {  	s3 =	rddreg [dreg:$0x2];
	[bflag:$0x3] =	sbarrier.arrive $0xFFFF;
	s2 =	simm.s32 @!p0 $0x1C07  }
0x11e: {  	[timem:s3], [sflag:s2] =	dma.local @!p0 [hbm:s0], s1  }
0x11f: {  	s0 =	simm.s32 @!p0 $0x7  }
0x120: {  	_ =	swait.ge @!p0 [sflag:s0], s1  }
0x121: {  	s1 =	ssub.s32 @!p0 $0x0, s1;
	[sflag:s0] =	ssyncset.done @!p0 $0x0  }
0x122: {  	[sflag:s0] =	ssyncadd.s32 @!p0 s1  }
0x123: {  	[bflag:$0x3] =	sbarrier.arrive $0xFFFF  }
0x124: {  	_ =	shalt  }

</sc_bundles>
